<compile_context>
chip_gen: v7x
topology: tpu7x:2x2x1
jax: 0.10.2.dev20260603
libtpu: 0.0.44.dev20260713+nightly
codegen_flags: <defaults>
</compile_context>

<pallas_src>
import functools
import math

import jax
import jax.numpy as jnp
from jax import lax
from jax.experimental import pallas as pl
from jax.experimental.pallas import tpu as pltpu
from jax.experimental.pallas import tpu_sc as plsc

D_MODEL = 128
SCALE = math.sqrt(D_MODEL)

_info = plsc.get_sparse_core_info()
NC, NS, L = _info.num_cores, _info.num_subcores, _info.num_lanes
NW = NC * NS

NBUF = 5
LA = 2


def _make_kernel(n_rows, seq):
    assert n_rows % NW == 0
    cols_per_w = n_rows // NW
    assert seq % NBUF == 0
    mesh = plsc.VectorSubcoreMesh(core_axis_name="c", subcore_axis_name="s")

    @functools.partial(
        pl.kernel,
        mesh=mesh,
        out_type=jax.ShapeDtypeStruct((seq, n_rows, D_MODEL), jnp.float32),
        compiler_params=pltpu.CompilerParams(use_tc_tiling_on_sc=True),
        scratch_types=(
            [pltpu.VMEM((seq, cols_per_w), jnp.int32)]
            + [pltpu.VMEM((cols_per_w, D_MODEL), jnp.float32)] * NBUF
            + [pltpu.SemaphoreType.DMA] * (2 * NBUF)
        ),
    )
    def k(xt_hbm, table_hbm, out_hbm, idx_v, *rest):
        bufs = rest[:NBUF]
        gsems = rest[NBUF:2 * NBUF]
        osems = rest[2 * NBUF:3 * NBUF]
        wid = lax.axis_index("s") * NC + lax.axis_index("c")
        col0 = wid * cols_per_w
        pltpu.sync_copy(xt_hbm.at[:, pl.ds(col0, cols_per_w)], idx_v)

        def issue_gather(s, b):
            pltpu.async_copy(table_hbm.at[idx_v.at[s]], bufs[b], gsems[b])

        def wait_gather(b):
            pltpu.make_async_copy(
                out_hbm.at[0, pl.ds(0, cols_per_w)], bufs[b], gsems[b]).wait()

        def wait_out(b):
            pltpu.make_async_copy(
                bufs[b], out_hbm.at[0, pl.ds(0, cols_per_w)], osems[b]).wait()

        for b in range(LA):
            issue_gather(b, b)

        def scale_buf(buf):
            def scale_row(r, c):
                for j in range(D_MODEL // L):
                    buf[r, pl.ds(j * L, L)] = buf[r, pl.ds(j * L, L)] * SCALE
                return c
            lax.fori_loop(0, cols_per_w, scale_row, 0)

        def outer(g2, carry):
            for b in range(NBUF):
                g = g2 * NBUF + b
                bl = (b + LA) % NBUF
                gl = g + LA

                @pl.when(gl < seq)
                def _issue():
                    @pl.when(gl >= NBUF)
                    def _wait_out():
                        wait_out(bl)
                    issue_gather(gl, bl)

                wait_gather(b)
                scale_buf(bufs[b])
                pltpu.async_copy(
                    bufs[b], out_hbm.at[g, pl.ds(col0, cols_per_w)], osems[b])
            return carry

        lax.fori_loop(0, seq // NBUF, outer, 0)

        for b in range(NBUF):
            wait_out(b)

    return k


@jax.jit
def kernel(x, table):
    n_rows, seq = x.shape
    xt = x.astype(jnp.int32).T
    out = _make_kernel(n_rows, seq)(xt, table)
    return out.transpose(1, 0, 2)

# --- scband reference (transcript-rebuilt; emitter-appended) ---
"""Pipeline reference for scband-ppocrv5-mobile-rec-embeddings-31825707663502 (READ-ONLY COPY).

The authoritative reference and input builder live on the scoring server;
editing this copy changes nothing except your own understanding.
"""

import jax, jax.numpy as jnp
import numpy as np
import math

D_MODEL = 128
VOCAB = 100000

def setup_inputs(seed: int = 0) -> dict:
    key = jax.random.key(seed)
    k1, k2 = jax.random.split(key)
    x = jax.random.randint(k1, (4096, 50), 0, VOCAB, dtype=jnp.int64 if jax.config.jax_enable_x64 else jnp.int32)
    table = jax.random.normal(k2, (VOCAB, D_MODEL), dtype=jnp.float32)
    return {"x": x, "table": table}

def reference(x, table):
    # PPOCRV5MobileRecEmbeddings.forward with scale_embedding=True
    emb = jnp.take(table, x, axis=0)
    return emb * math.sqrt(D_MODEL)

if __name__ == "__main__":
    import jax
    _d = setup_inputs()
    print(jax.jit(kernel)(*tuple(_d.values())))

</pallas_src>

<mosaic_0001>
#map = affine_map<(d0, d1) -> (0, 0)>
#map1 = affine_map<(d0, d1) -> (0, 0, 0)>
module attributes {stable_mosaic.version = 14 : i64} {
  func.func @k(%arg0: i32, %arg1: i32, %arg2: memref<50x4096xi32, #tpu.memory_space<hbm>>, %arg3: memref<100000x128xf32, #tpu.memory_space<hbm>>, %arg4: memref<50x4096x128xf32, #tpu.memory_space<hbm>>, %arg5: memref<50x128xi32, #tpu.memory_space<vmem>>, %arg6: memref<128x128xf32, #tpu.memory_space<vmem>>, %arg7: memref<128x128xf32, #tpu.memory_space<vmem>>, %arg8: memref<128x128xf32, #tpu.memory_space<vmem>>, %arg9: memref<128x128xf32, #tpu.memory_space<vmem>>, %arg10: memref<128x128xf32, #tpu.memory_space<vmem>>, %arg11: memref<!tpu.dma_semaphore, #tpu.memory_space<semaphore_mem>>, %arg12: memref<!tpu.dma_semaphore, #tpu.memory_space<semaphore_mem>>, %arg13: memref<!tpu.dma_semaphore, #tpu.memory_space<semaphore_mem>>, %arg14: memref<!tpu.dma_semaphore, #tpu.memory_space<semaphore_mem>>, %arg15: memref<!tpu.dma_semaphore, #tpu.memory_space<semaphore_mem>>, %arg16: memref<!tpu.dma_semaphore, #tpu.memory_space<semaphore_mem>>, %arg17: memref<!tpu.dma_semaphore, #tpu.memory_space<semaphore_mem>>, %arg18: memref<!tpu.dma_semaphore, #tpu.memory_space<semaphore_mem>>, %arg19: memref<!tpu.dma_semaphore, #tpu.memory_space<semaphore_mem>>, %arg20: memref<!tpu.dma_semaphore, #tpu.memory_space<semaphore_mem>>) attributes {dimension_semantics = [#tpu.dimension_semantics<core_parallel>, #tpu.dimension_semantics<subcore_parallel>], iteration_bounds = array<i64: 2, 16>, scalar_prefetch = 0 : i64, scratch_operands = 16 : i64, tpu.core_type = #tpu.core_type<sc_vector_subcore>, window_params = [{transform_indices = #map}, {transform_indices = #map}, {transform_indices = #map1}]} {
    %mul3A = arith.constant 2 : i32
    %mul3A_0 = arith.muli %arg1, %mul3A : i32
    %add3A = arith.addi %mul3A_0, %arg0 : i32
    %mul3A_1 = arith.constant 128 : i32
    %mul3A_2 = arith.muli %add3A, %mul3A_1 : i32
    "tpu.region"() ({
      %run_scoped3A = tpu.sem_alloc : memref<!tpu.dma_semaphore, #tpu.memory_space<semaphore_mem>>
      %dma_start3A_65 = arith.constant 0 : i32
      %dma_start3A_66 = tpu.memref_slice %arg2[%dma_start3A_65, %mul3A_2] : memref<50x4096xi32, #tpu.memory_space<hbm>> -> memref<50x128xi32, #tpu.memory_space<hbm>>
      %dma_start3A_67 = arith.constant 0 : i32
      %dma_start3A_68 = tpu.memref_slice %arg2[%dma_start3A_67, %mul3A_2] : memref<50x4096xi32, #tpu.memory_space<hbm>> -> memref<50x128xi32, #tpu.memory_space<hbm>>
      tpu.enqueue_dma source(%dma_start3A_68 : memref<50x128xi32, #tpu.memory_space<hbm>>) target(%arg5 : memref<50x128xi32, #tpu.memory_space<vmem>>) target_semaphore(%run_scoped3A : memref<!tpu.dma_semaphore, #tpu.memory_space<semaphore_mem>>)
      %dma_wait3A_69 = arith.constant 0 : i32
      %dma_wait3A_70 = tpu.memref_slice %arg2[%dma_wait3A_69, %mul3A_2] : memref<50x4096xi32, #tpu.memory_space<hbm>> -> memref<50x128xi32, #tpu.memory_space<hbm>>
      %dma_wait3A_71 = arith.constant 0 : i32
      %dma_wait3A_72 = tpu.memref_slice %arg2[%dma_wait3A_71, %mul3A_2] : memref<50x4096xi32, #tpu.memory_space<hbm>> -> memref<50x128xi32, #tpu.memory_space<hbm>>
      tpu.wait_dma2 semaphore(%run_scoped3A : memref<!tpu.dma_semaphore, #tpu.memory_space<semaphore_mem>>) src(%dma_wait3A_72 : memref<50x128xi32, #tpu.memory_space<hbm>>) dst(%arg5 : memref<50x128xi32, #tpu.memory_space<vmem>>)
      tpu.yield
    }) : () -> ()
    %dma_start3A = arith.constant 0 : i32
    %dma_start3A_3 = arith.constant 0 : i32
    %dma_start3A_4 = tpu.memref_slice %arg5[%dma_start3A, %dma_start3A_3] : memref<50x128xi32, #tpu.memory_space<vmem>> -> memref<1x128xi32, #tpu.memory_space<vmem>>
    %dma_start3A_5 = tpu.memref_squeeze %dma_start3A_4 : memref<1x128xi32, #tpu.memory_space<vmem>> -> memref<128xi32, #tpu.memory_space<vmem>>
    %dma_start3A_6 = arith.constant 0 : i32
    %dma_start3A_7 = arith.constant 0 : i32
    %dma_start3A_8 = tpu.memref_slice %arg3[%dma_start3A_6, %dma_start3A_7] : memref<100000x128xf32, #tpu.memory_space<hbm>> -> memref<100000x128xf32, #tpu.memory_space<hbm>>
    tpu.enqueue_indirect_dma source(%dma_start3A_8 : memref<100000x128xf32, #tpu.memory_space<hbm>>) target(%arg6 : memref<128x128xf32, #tpu.memory_space<vmem>>) offsets(%dma_start3A_5 : memref<128xi32, #tpu.memory_space<vmem>>) semaphore(%arg11 : memref<!tpu.dma_semaphore, #tpu.memory_space<semaphore_mem>>)
    %dma_start3A_9 = arith.constant 1 : i32
    %dma_start3A_10 = arith.constant 0 : i32
    %dma_start3A_11 = tpu.memref_slice %arg5[%dma_start3A_9, %dma_start3A_10] : memref<50x128xi32, #tpu.memory_space<vmem>> -> memref<1x128xi32, #tpu.memory_space<vmem>>
    %dma_start3A_12 = tpu.memref_squeeze %dma_start3A_11 : memref<1x128xi32, #tpu.memory_space<vmem>> -> memref<128xi32, #tpu.memory_space<vmem>>
    %dma_start3A_13 = arith.constant 0 : i32
    %dma_start3A_14 = arith.constant 0 : i32
    %dma_start3A_15 = tpu.memref_slice %arg3[%dma_start3A_13, %dma_start3A_14] : memref<100000x128xf32, #tpu.memory_space<hbm>> -> memref<100000x128xf32, #tpu.memory_space<hbm>>
    tpu.enqueue_indirect_dma source(%dma_start3A_15 : memref<100000x128xf32, #tpu.memory_space<hbm>>) target(%arg7 : memref<128x128xf32, #tpu.memory_space<vmem>>) offsets(%dma_start3A_12 : memref<128xi32, #tpu.memory_space<vmem>>) semaphore(%arg12 : memref<!tpu.dma_semaphore, #tpu.memory_space<semaphore_mem>>)
    %scan3A = arith.constant 0 : i32
    %scan3A_16 = arith.constant 0 : i32
    %scan3A_17 = arith.constant 10 : i32
    %scan3A_18 = arith.addi %scan3A_16, %scan3A_17 : i32
    %scan3A_19 = arith.constant 1 : i32
    scf.for %scan3A_65 = %scan3A_16 to %scan3A_18 step %scan3A_19  : i32 {
      %mul3A_66 = arith.constant 5 : i32
      %mul3A_67 = arith.muli %scan3A_65, %mul3A_66 : i32
      %add3A_68 = arith.constant 0 : i32
      %add3A_69 = arith.addi %mul3A_67, %add3A_68 : i32
      %add3A_70 = arith.constant 2 : i32
      %add3A_71 = arith.addi %add3A_69, %add3A_70 : i32
      %lt3A = arith.constant 50 : i32
      %lt3A_72 = arith.cmpi slt, %add3A_71, %lt3A : i32
      %convert_element_type3A = arith.extui %lt3A_72 : i1 to i32
      %cond3A = arith.constant 0 : i32
      %cond3A_73 = arith.cmpi ne, %convert_element_type3A, %cond3A : i32
      scf.if %cond3A_73 {
        %ge3A = arith.constant 5 : i32
        %ge3A_223 = arith.cmpi sge, %add3A_71, %ge3A : i32
        %convert_element_type3A_224 = arith.extui %ge3A_223 : i1 to i32
        %cond3A_225 = arith.constant 0 : i32
        %cond3A_226 = arith.cmpi ne, %convert_element_type3A_224, %cond3A_225 : i32
        scf.if %cond3A_226 {
          %dma_wait3A_233 = arith.constant 0 : i32
          %dma_wait3A_234 = arith.constant 0 : i32
          %dma_wait3A_235 = arith.constant 0 : i32
          %dma_wait3A_236 = tpu.memref_slice %arg4[%dma_wait3A_233, %dma_wait3A_234, %dma_wait3A_235] : memref<50x4096x128xf32, #tpu.memory_space<hbm>> -> memref<1x128x128xf32, #tpu.memory_space<hbm>>
          %dma_wait3A_237 = tpu.memref_squeeze %dma_wait3A_236 : memref<1x128x128xf32, #tpu.memory_space<hbm>> -> memref<128x128xf32, #tpu.memory_space<hbm>>
          %dma_wait3A_238 = arith.constant 0 : i32
          %dma_wait3A_239 = arith.constant 0 : i32
          %dma_wait3A_240 = tpu.memref_slice %arg4[%dma_wait3A_233, %dma_wait3A_238, %dma_wait3A_239] : memref<50x4096x128xf32, #tpu.memory_space<hbm>> -> memref<1x128x128xf32, #tpu.memory_space<hbm>>
          %dma_wait3A_241 = tpu.memref_squeeze %dma_wait3A_240 : memref<1x128x128xf32, #tpu.memory_space<hbm>> -> memref<128x128xf32, #tpu.memory_space<hbm>>
          tpu.wait_dma2 semaphore(%arg18 : memref<!tpu.dma_semaphore, #tpu.memory_space<semaphore_mem>>) src(%arg8 : memref<128x128xf32, #tpu.memory_space<vmem>>) dst(%dma_wait3A_241 : memref<128x128xf32, #tpu.memory_space<hbm>>)
        } else {
        }
        %dma_start3A_227 = arith.constant 0 : i32
        %dma_start3A_228 = tpu.memref_slice %arg5[%add3A_71, %dma_start3A_227] : memref<50x128xi32, #tpu.memory_space<vmem>> -> memref<1x128xi32, #tpu.memory_space<vmem>>
        %dma_start3A_229 = tpu.memref_squeeze %dma_start3A_228 : memref<1x128xi32, #tpu.memory_space<vmem>> -> memref<128xi32, #tpu.memory_space<vmem>>
        %dma_start3A_230 = arith.constant 0 : i32
        %dma_start3A_231 = arith.constant 0 : i32
        %dma_start3A_232 = tpu.memref_slice %arg3[%dma_start3A_230, %dma_start3A_231] : memref<100000x128xf32, #tpu.memory_space<hbm>> -> memref<100000x128xf32, #tpu.memory_space<hbm>>
        tpu.enqueue_indirect_dma source(%dma_start3A_232 : memref<100000x128xf32, #tpu.memory_space<hbm>>) target(%arg8 : memref<128x128xf32, #tpu.memory_space<vmem>>) offsets(%dma_start3A_229 : memref<128xi32, #tpu.memory_space<vmem>>) semaphore(%arg13 : memref<!tpu.dma_semaphore, #tpu.memory_space<semaphore_mem>>)
      } else {
      }
      %dma_wait3A_74 = arith.constant 0 : i32
      %dma_wait3A_75 = arith.constant 0 : i32
      %dma_wait3A_76 = arith.constant 0 : i32
      %dma_wait3A_77 = tpu.memref_slice %arg4[%dma_wait3A_74, %dma_wait3A_75, %dma_wait3A_76] : memref<50x4096x128xf32, #tpu.memory_space<hbm>> -> memref<1x128x128xf32, #tpu.memory_space<hbm>>
      %dma_wait3A_78 = tpu.memref_squeeze %dma_wait3A_77 : memref<1x128x128xf32, #tpu.memory_space<hbm>> -> memref<128x128xf32, #tpu.memory_space<hbm>>
      %dma_wait3A_79 = arith.constant 0 : i32
      %dma_wait3A_80 = arith.constant 0 : i32
      %dma_wait3A_81 = tpu.memref_slice %arg4[%dma_wait3A_74, %dma_wait3A_79, %dma_wait3A_80] : memref<50x4096x128xf32, #tpu.memory_space<hbm>> -> memref<1x128x128xf32, #tpu.memory_space<hbm>>
      %dma_wait3A_82 = tpu.memref_squeeze %dma_wait3A_81 : memref<1x128x128xf32, #tpu.memory_space<hbm>> -> memref<128x128xf32, #tpu.memory_space<hbm>>
      tpu.wait_dma2 semaphore(%arg11 : memref<!tpu.dma_semaphore, #tpu.memory_space<semaphore_mem>>) src(%dma_wait3A_82 : memref<128x128xf32, #tpu.memory_space<hbm>>) dst(%arg6 : memref<128x128xf32, #tpu.memory_space<vmem>>)
      %scan3A_83 = arith.constant 0 : i32
      %scan3A_84 = arith.constant 0 : i32
      %scan3A_85 = arith.constant 128 : i32
      %scan3A_86 = arith.addi %scan3A_84, %scan3A_85 : i32
      %scan3A_87 = arith.constant 1 : i32
      scf.for %scan3A_223 = %scan3A_84 to %scan3A_86 step %scan3A_87  : i32 {
        %get3A = arith.index_cast %scan3A_223 : i32 to index
        %get3A_224 = arith.constant 0 : index
        %get3A_225 = tpu.vector_load %arg6[%get3A, %get3A_224] {strides = array<i32>} : memref<128x128xf32, #tpu.memory_space<vmem>>, vector<1x16xf32>,
        %get3A_226 = vector.shape_cast %get3A_225 : vector<1x16xf32> to vector<16xf32>
        %mul3A_227 = arith.constant 11.3137083 : f32
        %mul3A_228 = vector.broadcast %mul3A_227 : f32 to vector<16xf32>
        %mul3A_229 = arith.mulf %get3A_226, %mul3A_228 : vector<16xf32>
        %swap3A = arith.index_cast %scan3A_223 : i32 to index
        %swap3A_230 = arith.constant 0 : index
        %swap3A_231 = tpu.vector_load %arg6[%swap3A, %swap3A_230] {strides = array<i32>} : memref<128x128xf32, #tpu.memory_space<vmem>>, vector<1x16xf32>,
        %swap3A_232 = vector.shape_cast %swap3A_231 : vector<1x16xf32> to vector<16xf32>
        %swap3A_233 = vector.shape_cast %mul3A_229 : vector<16xf32> to vector<1x16xf32>
        tpu.vector_store %arg6[%swap3A, %swap3A_230], %swap3A_233 {strides = array<i32>} : memref<128x128xf32, #tpu.memory_space<vmem>>, vector<1x16xf32>,
        %get3A_234 = arith.index_cast %scan3A_223 : i32 to index
        %get3A_235 = arith.constant 16 : index
        %get3A_236 = tpu.vector_load %arg6[%get3A_234, %get3A_235] {strides = array<i32>} : memref<128x128xf32, #tpu.memory_space<vmem>>, vector<1x16xf32>,
        %get3A_237 = vector.shape_cast %get3A_236 : vector<1x16xf32> to vector<16xf32>
        %mul3A_238 = arith.constant 11.3137083 : f32
        %mul3A_239 = vector.broadcast %mul3A_238 : f32 to vector<16xf32>
        %mul3A_240 = arith.mulf %get3A_237, %mul3A_239 : vector<16xf32>
        %swap3A_241 = arith.index_cast %scan3A_223 : i32 to index
        %swap3A_242 = arith.constant 16 : index
        %swap3A_243 = tpu.vector_load %arg6[%swap3A_241, %swap3A_242] {strides = array<i32>} : memref<128x128xf32, #tpu.memory_space<vmem>>, vector<1x16xf32>,
        %swap3A_244 = vector.shape_cast %swap3A_243 : vector<1x16xf32> to vector<16xf32>
        %swap3A_245 = vector.shape_cast %mul3A_240 : vector<16xf32> to vector<1x16xf32>
        tpu.vector_store %arg6[%swap3A_241, %swap3A_242], %swap3A_245 {strides = array<i32>} : memref<128x128xf32, #tpu.memory_space<vmem>>, vector<1x16xf32>,
        %get3A_246 = arith.index_cast %scan3A_223 : i32 to index
        %get3A_247 = arith.constant 32 : index
        %get3A_248 = tpu.vector_load %arg6[%get3A_246, %get3A_247] {strides = array<i32>} : memref<128x128xf32, #tpu.memory_space<vmem>>, vector<1x16xf32>,
        %get3A_249 = vector.shape_cast %get3A_248 : vector<1x16xf32> to vector<16xf32>
        %mul3A_250 = arith.constant 11.3137083 : f32
        %mul3A_251 = vector.broadcast %mul3A_250 : f32 to vector<16xf32>
        %mul3A_252 = arith.mulf %get3A_249, %mul3A_251 : vector<16xf32>
        %swap3A_253 = arith.index_cast %scan3A_223 : i32 to index
        %swap3A_254 = arith.constant 32 : index
        %swap3A_255 = tpu.vector_load %arg6[%swap3A_253, %swap3A_254] {strides = array<i32>} : memref<128x128xf32, #tpu.memory_space<vmem>>, vector<1x16xf32>,
        %swap3A_256 = vector.shape_cast %swap3A_255 : vector<1x16xf32> to vector<16xf32>
        %swap3A_257 = vector.shape_cast %mul3A_252 : vector<16xf32> to vector<1x16xf32>
        tpu.vector_store %arg6[%swap3A_253, %swap3A_254], %swap3A_257 {strides = array<i32>} : memref<128x128xf32, #tpu.memory_space<vmem>>, vector<1x16xf32>,
        %get3A_258 = arith.index_cast %scan3A_223 : i32 to index
        %get3A_259 = arith.constant 48 : index
        %get3A_260 = tpu.vector_load %arg6[%get3A_258, %get3A_259] {strides = array<i32>} : memref<128x128xf32, #tpu.memory_space<vmem>>, vector<1x16xf32>,
        %get3A_261 = vector.shape_cast %get3A_260 : vector<1x16xf32> to vector<16xf32>
        %mul3A_262 = arith.constant 11.3137083 : f32
        %mul3A_263 = vector.broadcast %mul3A_262 : f32 to vector<16xf32>
        %mul3A_264 = arith.mulf %get3A_261, %mul3A_263 : vector<16xf32>
        %swap3A_265 = arith.index_cast %scan3A_223 : i32 to index
        %swap3A_266 = arith.constant 48 : index
        %swap3A_267 = tpu.vector_load %arg6[%swap3A_265, %swap3A_266] {strides = array<i32>} : memref<128x128xf32, #tpu.memory_space<vmem>>, vector<1x16xf32>,
        %swap3A_268 = vector.shape_cast %swap3A_267 : vector<1x16xf32> to vector<16xf32>
        %swap3A_269 = vector.shape_cast %mul3A_264 : vector<16xf32> to vector<1x16xf32>
        tpu.vector_store %arg6[%swap3A_265, %swap3A_266], %swap3A_269 {strides = array<i32>} : memref<128x128xf32, #tpu.memory_space<vmem>>, vector<1x16xf32>,
        %get3A_270 = arith.index_cast %scan3A_223 : i32 to index
        %get3A_271 = arith.constant 64 : index
        %get3A_272 = tpu.vector_load %arg6[%get3A_270, %get3A_271] {strides = array<i32>} : memref<128x128xf32, #tpu.memory_space<vmem>>, vector<1x16xf32>,
        %get3A_273 = vector.shape_cast %get3A_272 : vector<1x16xf32> to vector<16xf32>
        %mul3A_274 = arith.constant 11.3137083 : f32
        %mul3A_275 = vector.broadcast %mul3A_274 : f32 to vector<16xf32>
        %mul3A_276 = arith.mulf %get3A_273, %mul3A_275 : vector<16xf32>
        %swap3A_277 = arith.index_cast %scan3A_223 : i32 to index
        %swap3A_278 = arith.constant 64 : index
        %swap3A_279 = tpu.vector_load %arg6[%swap3A_277, %swap3A_278] {strides = array<i32>} : memref<128x128xf32, #tpu.memory_space<vmem>>, vector<1x16xf32>,
        %swap3A_280 = vector.shape_cast %swap3A_279 : vector<1x16xf32> to vector<16xf32>
        %swap3A_281 = vector.shape_cast %mul3A_276 : vector<16xf32> to vector<1x16xf32>
        tpu.vector_store %arg6[%swap3A_277, %swap3A_278], %swap3A_281 {strides = array<i32>} : memref<128x128xf32, #tpu.memory_space<vmem>>, vector<1x16xf32>,
        %get3A_282 = arith.index_cast %scan3A_223 : i32 to index
        %get3A_283 = arith.constant 80 : index
        %get3A_284 = tpu.vector_load %arg6[%get3A_282, %get3A_283] {strides = array<i32>} : memref<128x128xf32, #tpu.memory_space<vmem>>, vector<1x16xf32>,
        %get3A_285 = vector.shape_cast %get3A_284 : vector<1x16xf32> to vector<16xf32>
        %mul3A_286 = arith.constant 11.3137083 : f32
        %mul3A_287 = vector.broadcast %mul3A_286 : f32 to vector<16xf32>
        %mul3A_288 = arith.mulf %get3A_285, %mul3A_287 : vector<16xf32>
        %swap3A_289 = arith.index_cast %scan3A_223 : i32 to index
        %swap3A_290 = arith.constant 80 : index
        %swap3A_291 = tpu.vector_load %arg6[%swap3A_289, %swap3A_290] {strides = array<i32>} : memref<128x128xf32, #tpu.memory_space<vmem>>, vector<1x16xf32>,
        %swap3A_292 = vector.shape_cast %swap3A_291 : vector<1x16xf32> to vector<16xf32>
        %swap3A_293 = vector.shape_cast %mul3A_288 : vector<16xf32> to vector<1x16xf32>
        tpu.vector_store %arg6[%swap3A_289, %swap3A_290], %swap3A_293 {strides = array<i32>} : memref<128x128xf32, #tpu.memory_space<vmem>>, vector<1x16xf32>,
        %get3A_294 = arith.index_cast %scan3A_223 : i32 to index
        %get3A_295 = arith.constant 96 : index
        %get3A_296 = tpu.vector_load %arg6[%get3A_294, %get3A_295] {strides = array<i32>} : memref<128x128xf32, #tpu.memory_space<vmem>>, vector<1x16xf32>,
        %get3A_297 = vector.shape_cast %get3A_296 : vector<1x16xf32> to vector<16xf32>
        %mul3A_298 = arith.constant 11.3137083 : f32
        %mul3A_299 = vector.broadcast %mul3A_298 : f32 to vector<16xf32>
        %mul3A_300 = arith.mulf %get3A_297, %mul3A_299 : vector<16xf32>
        %swap3A_301 = arith.index_cast %scan3A_223 : i32 to index
        %swap3A_302 = arith.constant 96 : index
        %swap3A_303 = tpu.vector_load %arg6[%swap3A_301, %swap3A_302] {strides = array<i32>} : memref<128x128xf32, #tpu.memory_space<vmem>>, vector<1x16xf32>,
        %swap3A_304 = vector.shape_cast %swap3A_303 : vector<1x16xf32> to vector<16xf32>
        %swap3A_305 = vector.shape_cast %mul3A_300 : vector<16xf32> to vector<1x16xf32>
        tpu.vector_store %arg6[%swap3A_301, %swap3A_302], %swap3A_305 {strides = array<i32>} : memref<128x128xf32, #tpu.memory_space<vmem>>, vector<1x16xf32>,
        %get3A_306 = arith.index_cast %scan3A_223 : i32 to index
        %get3A_307 = arith.constant 112 : index
        %get3A_308 = tpu.vector_load %arg6[%get3A_306, %get3A_307] {strides = array<i32>} : memref<128x128xf32, #tpu.memory_space<vmem>>, vector<1x16xf32>,
        %get3A_309 = vector.shape_cast %get3A_308 : vector<1x16xf32> to vector<16xf32>
        %mul3A_310 = arith.constant 11.3137083 : f32
        %mul3A_311 = vector.broadcast %mul3A_310 : f32 to vector<16xf32>
        %mul3A_312 = arith.mulf %get3A_309, %mul3A_311 : vector<16xf32>
        %swap3A_313 = arith.index_cast %scan3A_223 : i32 to index
        %swap3A_314 = arith.constant 112 : index
        %swap3A_315 = tpu.vector_load %arg6[%swap3A_313, %swap3A_314] {strides = array<i32>} : memref<128x128xf32, #tpu.memory_space<vmem>>, vector<1x16xf32>,
        %swap3A_316 = vector.shape_cast %swap3A_315 : vector<1x16xf32> to vector<16xf32>
        %swap3A_317 = vector.shape_cast %mul3A_312 : vector<16xf32> to vector<1x16xf32>
        tpu.vector_store %arg6[%swap3A_313, %swap3A_314], %swap3A_317 {strides = array<i32>} : memref<128x128xf32, #tpu.memory_space<vmem>>, vector<1x16xf32>,
      }
      %scan3A_88 = arith.constant 128 : i32
      %dma_start3A_89 = arith.constant 0 : i32
      %dma_start3A_90 = tpu.memref_slice %arg4[%add3A_69, %mul3A_2, %dma_start3A_89] : memref<50x4096x128xf32, #tpu.memory_space<hbm>> -> memref<1x128x128xf32, #tpu.memory_space<hbm>>
      %dma_start3A_91 = tpu.memref_squeeze %dma_start3A_90 : memref<1x128x128xf32, #tpu.memory_space<hbm>> -> memref<128x128xf32, #tpu.memory_space<hbm>>
      %dma_start3A_92 = arith.constant 0 : i32
      %dma_start3A_93 = tpu.memref_slice %arg4[%add3A_69, %mul3A_2, %dma_start3A_92] : memref<50x4096x128xf32, #tpu.memory_space<hbm>> -> memref<1x128x128xf32, #tpu.memory_space<hbm>>
      %dma_start3A_94 = tpu.memref_squeeze %dma_start3A_93 : memref<1x128x128xf32, #tpu.memory_space<hbm>> -> memref<128x128xf32, #tpu.memory_space<hbm>>
      tpu.enqueue_dma source(%arg6 : memref<128x128xf32, #tpu.memory_space<vmem>>) target(%dma_start3A_94 : memref<128x128xf32, #tpu.memory_space<hbm>>) target_semaphore(%arg16 : memref<!tpu.dma_semaphore, #tpu.memory_space<semaphore_mem>>)
      %mul3A_95 = arith.constant 5 : i32
      %mul3A_96 = arith.muli %scan3A_65, %mul3A_95 : i32
      %add3A_97 = arith.constant 1 : i32
      %add3A_98 = arith.addi %mul3A_96, %add3A_97 : i32
      %add3A_99 = arith.constant 2 : i32
      %add3A_100 = arith.addi %add3A_98, %add3A_99 : i32
      %lt3A_101 = arith.constant 50 : i32
      %lt3A_102 = arith.cmpi slt, %add3A_100, %lt3A_101 : i32
      %convert_element_type3A_103 = arith.extui %lt3A_102 : i1 to i32
      %cond3A_104 = arith.constant 0 : i32
      %cond3A_105 = arith.cmpi ne, %convert_element_type3A_103, %cond3A_104 : i32
      scf.if %cond3A_105 {
        %ge3A = arith.constant 5 : i32
        %ge3A_223 = arith.cmpi sge, %add3A_100, %ge3A : i32
        %convert_element_type3A_224 = arith.extui %ge3A_223 : i1 to i32
        %cond3A_225 = arith.constant 0 : i32
        %cond3A_226 = arith.cmpi ne, %convert_element_type3A_224, %cond3A_225 : i32
        scf.if %cond3A_226 {
          %dma_wait3A_233 = arith.constant 0 : i32
          %dma_wait3A_234 = arith.constant 0 : i32
          %dma_wait3A_235 = arith.constant 0 : i32
          %dma_wait3A_236 = tpu.memref_slice %arg4[%dma_wait3A_233, %dma_wait3A_234, %dma_wait3A_235] : memref<50x4096x128xf32, #tpu.memory_space<hbm>> -> memref<1x128x128xf32, #tpu.memory_space<hbm>>
          %dma_wait3A_237 = tpu.memref_squeeze %dma_wait3A_236 : memref<1x128x128xf32, #tpu.memory_space<hbm>> -> memref<128x128xf32, #tpu.memory_space<hbm>>
          %dma_wait3A_238 = arith.constant 0 : i32
          %dma_wait3A_239 = arith.constant 0 : i32
          %dma_wait3A_240 = tpu.memref_slice %arg4[%dma_wait3A_233, %dma_wait3A_238, %dma_wait3A_239] : memref<50x4096x128xf32, #tpu.memory_space<hbm>> -> memref<1x128x128xf32, #tpu.memory_space<hbm>>
          %dma_wait3A_241 = tpu.memref_squeeze %dma_wait3A_240 : memref<1x128x128xf32, #tpu.memory_space<hbm>> -> memref<128x128xf32, #tpu.memory_space<hbm>>
          tpu.wait_dma2 semaphore(%arg19 : memref<!tpu.dma_semaphore, #tpu.memory_space<semaphore_mem>>) src(%arg9 : memref<128x128xf32, #tpu.memory_space<vmem>>) dst(%dma_wait3A_241 : memref<128x128xf32, #tpu.memory_space<hbm>>)
        } else {
        }
        %dma_start3A_227 = arith.constant 0 : i32
        %dma_start3A_228 = tpu.memref_slice %arg5[%add3A_100, %dma_start3A_227] : memref<50x128xi32, #tpu.memory_space<vmem>> -> memref<1x128xi32, #tpu.memory_space<vmem>>
        %dma_start3A_229 = tpu.memref_squeeze %dma_start3A_228 : memref<1x128xi32, #tpu.memory_space<vmem>> -> memref<128xi32, #tpu.memory_space<vmem>>
        %dma_start3A_230 = arith.constant 0 : i32
        %dma_start3A_231 = arith.constant 0 : i32
        %dma_start3A_232 = tpu.memref_slice %arg3[%dma_start3A_230, %dma_start3A_231] : memref<100000x128xf32, #tpu.memory_space<hbm>> -> memref<100000x128xf32, #tpu.memory_space<hbm>>
        tpu.enqueue_indirect_dma source(%dma_start3A_232 : memref<100000x128xf32, #tpu.memory_space<hbm>>) target(%arg9 : memref<128x128xf32, #tpu.memory_space<vmem>>) offsets(%dma_start3A_229 : memref<128xi32, #tpu.memory_space<vmem>>) semaphore(%arg14 : memref<!tpu.dma_semaphore, #tpu.memory_space<semaphore_mem>>)
      } else {
      }
      %dma_wait3A_106 = arith.constant 0 : i32
      %dma_wait3A_107 = arith.constant 0 : i32
      %dma_wait3A_108 = arith.constant 0 : i32
      %dma_wait3A_109 = tpu.memref_slice %arg4[%dma_wait3A_106, %dma_wait3A_107, %dma_wait3A_108] : memref<50x4096x128xf32, #tpu.memory_space<hbm>> -> memref<1x128x128xf32, #tpu.memory_space<hbm>>
      %dma_wait3A_110 = tpu.memref_squeeze %dma_wait3A_109 : memref<1x128x128xf32, #tpu.memory_space<hbm>> -> memref<128x128xf32, #tpu.memory_space<hbm>>
      %dma_wait3A_111 = arith.constant 0 : i32
      %dma_wait3A_112 = arith.constant 0 : i32
      %dma_wait3A_113 = tpu.memref_slice %arg4[%dma_wait3A_106, %dma_wait3A_111, %dma_wait3A_112] : memref<50x4096x128xf32, #tpu.memory_space<hbm>> -> memref<1x128x128xf32, #tpu.memory_space<hbm>>
      %dma_wait3A_114 = tpu.memref_squeeze %dma_wait3A_113 : memref<1x128x128xf32, #tpu.memory_space<hbm>> -> memref<128x128xf32, #tpu.memory_space<hbm>>
      tpu.wait_dma2 semaphore(%arg12 : memref<!tpu.dma_semaphore, #tpu.memory_space<semaphore_mem>>) src(%dma_wait3A_114 : memref<128x128xf32, #tpu.memory_space<hbm>>) dst(%arg7 : memref<128x128xf32, #tpu.memory_space<vmem>>)
      %scan3A_115 = arith.constant 0 : i32
      %scan3A_116 = arith.constant 0 : i32
      %scan3A_117 = arith.constant 128 : i32
      %scan3A_118 = arith.addi %scan3A_116, %scan3A_117 : i32
      %scan3A_119 = arith.constant 1 : i32
      scf.for %scan3A_223 = %scan3A_116 to %scan3A_118 step %scan3A_119  : i32 {
        %get3A = arith.index_cast %scan3A_223 : i32 to index
        %get3A_224 = arith.constant 0 : index
        %get3A_225 = tpu.vector_load %arg7[%get3A, %get3A_224] {strides = array<i32>} : memref<128x128xf32, #tpu.memory_space<vmem>>, vector<1x16xf32>,
        %get3A_226 = vector.shape_cast %get3A_225 : vector<1x16xf32> to vector<16xf32>
        %mul3A_227 = arith.constant 11.3137083 : f32
        %mul3A_228 = vector.broadcast %mul3A_227 : f32 to vector<16xf32>
        %mul3A_229 = arith.mulf %get3A_226, %mul3A_228 : vector<16xf32>
        %swap3A = arith.index_cast %scan3A_223 : i32 to index
        %swap3A_230 = arith.constant 0 : index
        %swap3A_231 = tpu.vector_load %arg7[%swap3A, %swap3A_230] {strides = array<i32>} : memref<128x128xf32, #tpu.memory_space<vmem>>, vector<1x16xf32>,
        %swap3A_232 = vector.shape_cast %swap3A_231 : vector<1x16xf32> to vector<16xf32>
        %swap3A_233 = vector.shape_cast %mul3A_229 : vector<16xf32> to vector<1x16xf32>
        tpu.vector_store %arg7[%swap3A, %swap3A_230], %swap3A_233 {strides = array<i32>} : memref<128x128xf32, #tpu.memory_space<vmem>>, vector<1x16xf32>,
        %get3A_234 = arith.index_cast %scan3A_223 : i32 to index
        %get3A_235 = arith.constant 16 : index
        %get3A_236 = tpu.vector_load %arg7[%get3A_234, %get3A_235] {strides = array<i32>} : memref<128x128xf32, #tpu.memory_space<vmem>>, vector<1x16xf32>,
        %get3A_237 = vector.shape_cast %get3A_236 : vector<1x16xf32> to vector<16xf32>
        %mul3A_238 = arith.constant 11.3137083 : f32
        %mul3A_239 = vector.broadcast %mul3A_238 : f32 to vector<16xf32>
        %mul3A_240 = arith.mulf %get3A_237, %mul3A_239 : vector<16xf32>
        %swap3A_241 = arith.index_cast %scan3A_223 : i32 to index
        %swap3A_242 = arith.constant 16 : index
        %swap3A_243 = tpu.vector_load %arg7[%swap3A_241, %swap3A_242] {strides = array<i32>} : memref<128x128xf32, #tpu.memory_space<vmem>>, vector<1x16xf32>,
        %swap3A_244 = vector.shape_cast %swap3A_243 : vector<1x16xf32> to vector<16xf32>
        %swap3A_245 = vector.shape_cast %mul3A_240 : vector<16xf32> to vector<1x16xf32>
        tpu.vector_store %arg7[%swap3A_241, %swap3A_242], %swap3A_245 {strides = array<i32>} : memref<128x128xf32, #tpu.memory_space<vmem>>, vector<1x16xf32>,
        %get3A_246 = arith.index_cast %scan3A_223 : i32 to index
        %get3A_247 = arith.constant 32 : index
        %get3A_248 = tpu.vector_load %arg7[%get3A_246, %get3A_247] {strides = array<i32>} : memref<128x128xf32, #tpu.memory_space<vmem>>, vector<1x16xf32>,
        %get3A_249 = vector.shape_cast %get3A_248 : vector<1x16xf32> to vector<16xf32>
        %mul3A_250 = arith.constant 11.3137083 : f32
        %mul3A_251 = vector.broadcast %mul3A_250 : f32 to vector<16xf32>
        %mul3A_252 = arith.mulf %get3A_249, %mul3A_251 : vector<16xf32>
        %swap3A_253 = arith.index_cast %scan3A_223 : i32 to index
        %swap3A_254 = arith.constant 32 : index
        %swap3A_255 = tpu.vector_load %arg7[%swap3A_253, %swap3A_254] {strides = array<i32>} : memref<128x128xf32, #tpu.memory_space<vmem>>, vector<1x16xf32>,
        %swap3A_256 = vector.shape_cast %swap3A_255 : vector<1x16xf32> to vector<16xf32>
        %swap3A_257 = vector.shape_cast %mul3A_252 : vector<16xf32> to vector<1x16xf32>
        tpu.vector_store %arg7[%swap3A_253, %swap3A_254], %swap3A_257 {strides = array<i32>} : memref<128x128xf32, #tpu.memory_space<vmem>>, vector<1x16xf32>,
        %get3A_258 = arith.index_cast %scan3A_223 : i32 to index
        %get3A_259 = arith.constant 48 : index
        %get3A_260 = tpu.vector_load %arg7[%get3A_258, %get3A_259] {strides = array<i32>} : memref<128x128xf32, #tpu.memory_space<vmem>>, vector<1x16xf32>,
        %get3A_261 = vector.shape_cast %get3A_260 : vector<1x16xf32> to vector<16xf32>
        %mul3A_262 = arith.constant 11.3137083 : f32
        %mul3A_263 = vector.broadcast %mul3A_262 : f32 to vector<16xf32>
        %mul3A_264 = arith.mulf %get3A_261, %mul3A_263 : vector<16xf32>
        %swap3A_265 = arith.index_cast %scan3A_223 : i32 to index
        %swap3A_266 = arith.constant 48 : index
        %swap3A_267 = tpu.vector_load %arg7[%swap3A_265, %swap3A_266] {strides = array<i32>} : memref<128x128xf32, #tpu.memory_space<vmem>>, vector<1x16xf32>,
        %swap3A_268 = vector.shape_cast %swap3A_267 : vector<1x16xf32> to vector<16xf32>
        %swap3A_269 = vector.shape_cast %mul3A_264 : vector<16xf32> to vector<1x16xf32>
        tpu.vector_store %arg7[%swap3A_265, %swap3A_266], %swap3A_269 {strides = array<i32>} : memref<128x128xf32, #tpu.memory_space<vmem>>, vector<1x16xf32>,
        %get3A_270 = arith.index_cast %scan3A_223 : i32 to index
        %get3A_271 = arith.constant 64 : index
        %get3A_272 = tpu.vector_load %arg7[%get3A_270, %get3A_271] {strides = array<i32>} : memref<128x128xf32, #tpu.memory_space<vmem>>, vector<1x16xf32>,
        %get3A_273 = vector.shape_cast %get3A_272 : vector<1x16xf32> to vector<16xf32>
        %mul3A_274 = arith.constant 11.3137083 : f32
        %mul3A_275 = vector.broadcast %mul3A_274 : f32 to vector<16xf32>
        %mul3A_276 = arith.mulf %get3A_273, %mul3A_275 : vector<16xf32>
        %swap3A_277 = arith.index_cast %scan3A_223 : i32 to index
        %swap3A_278 = arith.constant 64 : index
        %swap3A_279 = tpu.vector_load %arg7[%swap3A_277, %swap3A_278] {strides = array<i32>} : memref<128x128xf32, #tpu.memory_space<vmem>>, vector<1x16xf32>,
        %swap3A_280 = vector.shape_cast %swap3A_279 : vector<1x16xf32> to vector<16xf32>
        %swap3A_281 = vector.shape_cast %mul3A_276 : vector<16xf32> to vector<1x16xf32>
        tpu.vector_store %arg7[%swap3A_277, %swap3A_278], %swap3A_281 {strides = array<i32>} : memref<128x128xf32, #tpu.memory_space<vmem>>, vector<1x16xf32>,
        %get3A_282 = arith.index_cast %scan3A_223 : i32 to index
        %get3A_283 = arith.constant 80 : index
        %get3A_284 = tpu.vector_load %arg7[%get3A_282, %get3A_283] {strides = array<i32>} : memref<128x128xf32, #tpu.memory_space<vmem>>, vector<1x16xf32>,
        %get3A_285 = vector.shape_cast %get3A_284 : vector<1x16xf32> to vector<16xf32>
        %mul3A_286 = arith.constant 11.3137083 : f32
        %mul3A_287 = vector.broadcast %mul3A_286 : f32 to vector<16xf32>
        %mul3A_288 = arith.mulf %get3A_285, %mul3A_287 : vector<16xf32>
        %swap3A_289 = arith.index_cast %scan3A_223 : i32 to index
        %swap3A_290 = arith.constant 80 : index
        %swap3A_291 = tpu.vector_load %arg7[%swap3A_289, %swap3A_290] {strides = array<i32>} : memref<128x128xf32, #tpu.memory_space<vmem>>, vector<1x16xf32>,
        %swap3A_292 = vector.shape_cast %swap3A_291 : vector<1x16xf32> to vector<16xf32>
        %swap3A_293 = vector.shape_cast %mul3A_288 : vector<16xf32> to vector<1x16xf32>
        tpu.vector_store %arg7[%swap3A_289, %swap3A_290], %swap3A_293 {strides = array<i32>} : memref<128x128xf32, #tpu.memory_space<vmem>>, vector<1x16xf32>,
        %get3A_294 = arith.index_cast %scan3A_223 : i32 to index
        %get3A_295 = arith.constant 96 : index
        %get3A_296 = tpu.vector_load %arg7[%get3A_294, %get3A_295] {strides = array<i32>} : memref<128x128xf32, #tpu.memory_space<vmem>>, vector<1x16xf32>,
        %get3A_297 = vector.shape_cast %get3A_296 : vector<1x16xf32> to vector<16xf32>
        %mul3A_298 = arith.constant 11.3137083 : f32
        %mul3A_299 = vector.broadcast %mul3A_298 : f32 to vector<16xf32>
        %mul3A_300 = arith.mulf %get3A_297, %mul3A_299 : vector<16xf32>
        %swap3A_301 = arith.index_cast %scan3A_223 : i32 to index
        %swap3A_302 = arith.constant 96 : index
        %swap3A_303 = tpu.vector_load %arg7[%swap3A_301, %swap3A_302] {strides = array<i32>} : memref<128x128xf32, #tpu.memory_space<vmem>>, vector<1x16xf32>,
        %swap3A_304 = vector.shape_cast %swap3A_303 : vector<1x16xf32> to vector<16xf32>
        %swap3A_305 = vector.shape_cast %mul3A_300 : vector<16xf32> to vector<1x16xf32>
        tpu.vector_store %arg7[%swap3A_301, %swap3A_302], %swap3A_305 {strides = array<i32>} : memref<128x128xf32, #tpu.memory_space<vmem>>, vector<1x16xf32>,
        %get3A_306 = arith.index_cast %scan3A_223 : i32 to index
        %get3A_307 = arith.constant 112 : index
        %get3A_308 = tpu.vector_load %arg7[%get3A_306, %get3A_307] {strides = array<i32>} : memref<128x128xf32, #tpu.memory_space<vmem>>, vector<1x16xf32>,
        %get3A_309 = vector.shape_cast %get3A_308 : vector<1x16xf32> to vector<16xf32>
        %mul3A_310 = arith.constant 11.3137083 : f32
        %mul3A_311 = vector.broadcast %mul3A_310 : f32 to vector<16xf32>
        %mul3A_312 = arith.mulf %get3A_309, %mul3A_311 : vector<16xf32>
        %swap3A_313 = arith.index_cast %scan3A_223 : i32 to index
        %swap3A_314 = arith.constant 112 : index
        %swap3A_315 = tpu.vector_load %arg7[%swap3A_313, %swap3A_314] {strides = array<i32>} : memref<128x128xf32, #tpu.memory_space<vmem>>, vector<1x16xf32>,
        %swap3A_316 = vector.shape_cast %swap3A_315 : vector<1x16xf32> to vector<16xf32>
        %swap3A_317 = vector.shape_cast %mul3A_312 : vector<16xf32> to vector<1x16xf32>
        tpu.vector_store %arg7[%swap3A_313, %swap3A_314], %swap3A_317 {strides = array<i32>} : memref<128x128xf32, #tpu.memory_space<vmem>>, vector<1x16xf32>,
      }
      %scan3A_120 = arith.constant 128 : i32
      %dma_start3A_121 = arith.constant 0 : i32
      %dma_start3A_122 = tpu.memref_slice %arg4[%add3A_98, %mul3A_2, %dma_start3A_121] : memref<50x4096x128xf32, #tpu.memory_space<hbm>> -> memref<1x128x128xf32, #tpu.memory_space<hbm>>
      %dma_start3A_123 = tpu.memref_squeeze %dma_start3A_122 : memref<1x128x128xf32, #tpu.memory_space<hbm>> -> memref<128x128xf32, #tpu.memory_space<hbm>>
      %dma_start3A_124 = arith.constant 0 : i32
      %dma_start3A_125 = tpu.memref_slice %arg4[%add3A_98, %mul3A_2, %dma_start3A_124] : memref<50x4096x128xf32, #tpu.memory_space<hbm>> -> memref<1x128x128xf32, #tpu.memory_space<hbm>>
      %dma_start3A_126 = tpu.memref_squeeze %dma_start3A_125 : memref<1x128x128xf32, #tpu.memory_space<hbm>> -> memref<128x128xf32, #tpu.memory_space<hbm>>
      tpu.enqueue_dma source(%arg7 : memref<128x128xf32, #tpu.memory_space<vmem>>) target(%dma_start3A_126 : memref<128x128xf32, #tpu.memory_space<hbm>>) target_semaphore(%arg17 : memref<!tpu.dma_semaphore, #tpu.memory_space<semaphore_mem>>)
      %mul3A_127 = arith.constant 5 : i32
      %mul3A_128 = arith.muli %scan3A_65, %mul3A_127 : i32
      %add3A_129 = arith.constant 2 : i32
      %add3A_130 = arith.addi %mul3A_128, %add3A_129 : i32
      %add3A_131 = arith.constant 2 : i32
      %add3A_132 = arith.addi %add3A_130, %add3A_131 : i32
      %lt3A_133 = arith.constant 50 : i32
      %lt3A_134 = arith.cmpi slt, %add3A_132, %lt3A_133 : i32
      %convert_element_type3A_135 = arith.extui %lt3A_134 : i1 to i32
      %cond3A_136 = arith.constant 0 : i32
      %cond3A_137 = arith.cmpi ne, %convert_element_type3A_135, %cond3A_136 : i32
      scf.if %cond3A_137 {
        %ge3A = arith.constant 5 : i32
        %ge3A_223 = arith.cmpi sge, %add3A_132, %ge3A : i32
        %convert_element_type3A_224 = arith.extui %ge3A_223 : i1 to i32
        %cond3A_225 = arith.constant 0 : i32
        %cond3A_226 = arith.cmpi ne, %convert_element_type3A_224, %cond3A_225 : i32
        scf.if %cond3A_226 {
          %dma_wait3A_233 = arith.constant 0 : i32
          %dma_wait3A_234 = arith.constant 0 : i32
          %dma_wait3A_235 = arith.constant 0 : i32
          %dma_wait3A_236 = tpu.memref_slice %arg4[%dma_wait3A_233, %dma_wait3A_234, %dma_wait3A_235] : memref<50x4096x128xf32, #tpu.memory_space<hbm>> -> memref<1x128x128xf32, #tpu.memory_space<hbm>>
          %dma_wait3A_237 = tpu.memref_squeeze %dma_wait3A_236 : memref<1x128x128xf32, #tpu.memory_space<hbm>> -> memref<128x128xf32, #tpu.memory_space<hbm>>
          %dma_wait3A_238 = arith.constant 0 : i32
          %dma_wait3A_239 = arith.constant 0 : i32
          %dma_wait3A_240 = tpu.memref_slice %arg4[%dma_wait3A_233, %dma_wait3A_238, %dma_wait3A_239] : memref<50x4096x128xf32, #tpu.memory_space<hbm>> -> memref<1x128x128xf32, #tpu.memory_space<hbm>>
          %dma_wait3A_241 = tpu.memref_squeeze %dma_wait3A_240 : memref<1x128x128xf32, #tpu.memory_space<hbm>> -> memref<128x128xf32, #tpu.memory_space<hbm>>
          tpu.wait_dma2 semaphore(%arg20 : memref<!tpu.dma_semaphore, #tpu.memory_space<semaphore_mem>>) src(%arg10 : memref<128x128xf32, #tpu.memory_space<vmem>>) dst(%dma_wait3A_241 : memref<128x128xf32, #tpu.memory_space<hbm>>)
        } else {
        }
        %dma_start3A_227 = arith.constant 0 : i32
        %dma_start3A_228 = tpu.memref_slice %arg5[%add3A_132, %dma_start3A_227] : memref<50x128xi32, #tpu.memory_space<vmem>> -> memref<1x128xi32, #tpu.memory_space<vmem>>
        %dma_start3A_229 = tpu.memref_squeeze %dma_start3A_228 : memref<1x128xi32, #tpu.memory_space<vmem>> -> memref<128xi32, #tpu.memory_space<vmem>>
        %dma_start3A_230 = arith.constant 0 : i32
        %dma_start3A_231 = arith.constant 0 : i32
        %dma_start3A_232 = tpu.memref_slice %arg3[%dma_start3A_230, %dma_start3A_231] : memref<100000x128xf32, #tpu.memory_space<hbm>> -> memref<100000x128xf32, #tpu.memory_space<hbm>>
        tpu.enqueue_indirect_dma source(%dma_start3A_232 : memref<100000x128xf32, #tpu.memory_space<hbm>>) target(%arg10 : memref<128x128xf32, #tpu.memory_space<vmem>>) offsets(%dma_start3A_229 : memref<128xi32, #tpu.memory_space<vmem>>) semaphore(%arg15 : memref<!tpu.dma_semaphore, #tpu.memory_space<semaphore_mem>>)
      } else {
      }
      %dma_wait3A_138 = arith.constant 0 : i32
      %dma_wait3A_139 = arith.constant 0 : i32
      %dma_wait3A_140 = arith.constant 0 : i32
      %dma_wait3A_141 = tpu.memref_slice %arg4[%dma_wait3A_138, %dma_wait3A_139, %dma_wait3A_140] : memref<50x4096x128xf32, #tpu.memory_space<hbm>> -> memref<1x128x128xf32, #tpu.memory_space<hbm>>
      %dma_wait3A_142 = tpu.memref_squeeze %dma_wait3A_141 : memref<1x128x128xf32, #tpu.memory_space<hbm>> -> memref<128x128xf32, #tpu.memory_space<hbm>>
      %dma_wait3A_143 = arith.constant 0 : i32
      %dma_wait3A_144 = arith.constant 0 : i32
      %dma_wait3A_145 = tpu.memref_slice %arg4[%dma_wait3A_138, %dma_wait3A_143, %dma_wait3A_144] : memref<50x4096x128xf32, #tpu.memory_space<hbm>> -> memref<1x128x128xf32, #tpu.memory_space<hbm>>
      %dma_wait3A_146 = tpu.memref_squeeze %dma_wait3A_145 : memref<1x128x128xf32, #tpu.memory_space<hbm>> -> memref<128x128xf32, #tpu.memory_space<hbm>>
      tpu.wait_dma2 semaphore(%arg13 : memref<!tpu.dma_semaphore, #tpu.memory_space<semaphore_mem>>) src(%dma_wait3A_146 : memref<128x128xf32, #tpu.memory_space<hbm>>) dst(%arg8 : memref<128x128xf32, #tpu.memory_space<vmem>>)
      %scan3A_147 = arith.constant 0 : i32
      %scan3A_148 = arith.constant 0 : i32
      %scan3A_149 = arith.constant 128 : i32
      %scan3A_150 = arith.addi %scan3A_148, %scan3A_149 : i32
      %scan3A_151 = arith.constant 1 : i32
      scf.for %scan3A_223 = %scan3A_148 to %scan3A_150 step %scan3A_151  : i32 {
        %get3A = arith.index_cast %scan3A_223 : i32 to index
        %get3A_224 = arith.constant 0 : index
        %get3A_225 = tpu.vector_load %arg8[%get3A, %get3A_224] {strides = array<i32>} : memref<128x128xf32, #tpu.memory_space<vmem>>, vector<1x16xf32>,
        %get3A_226 = vector.shape_cast %get3A_225 : vector<1x16xf32> to vector<16xf32>
        %mul3A_227 = arith.constant 11.3137083 : f32
        %mul3A_228 = vector.broadcast %mul3A_227 : f32 to vector<16xf32>
        %mul3A_229 = arith.mulf %get3A_226, %mul3A_228 : vector<16xf32>
        %swap3A = arith.index_cast %scan3A_223 : i32 to index
        %swap3A_230 = arith.constant 0 : index
        %swap3A_231 = tpu.vector_load %arg8[%swap3A, %swap3A_230] {strides = array<i32>} : memref<128x128xf32, #tpu.memory_space<vmem>>, vector<1x16xf32>,
        %swap3A_232 = vector.shape_cast %swap3A_231 : vector<1x16xf32> to vector<16xf32>
        %swap3A_233 = vector.shape_cast %mul3A_229 : vector<16xf32> to vector<1x16xf32>
        tpu.vector_store %arg8[%swap3A, %swap3A_230], %swap3A_233 {strides = array<i32>} : memref<128x128xf32, #tpu.memory_space<vmem>>, vector<1x16xf32>,
        %get3A_234 = arith.index_cast %scan3A_223 : i32 to index
        %get3A_235 = arith.constant 16 : index
        %get3A_236 = tpu.vector_load %arg8[%get3A_234, %get3A_235] {strides = array<i32>} : memref<128x128xf32, #tpu.memory_space<vmem>>, vector<1x16xf32>,
        %get3A_237 = vector.shape_cast %get3A_236 : vector<1x16xf32> to vector<16xf32>
        %mul3A_238 = arith.constant 11.3137083 : f32
        %mul3A_239 = vector.broadcast %mul3A_238 : f32 to vector<16xf32>
        %mul3A_240 = arith.mulf %get3A_237, %mul3A_239 : vector<16xf32>
        %swap3A_241 = arith.index_cast %scan3A_223 : i32 to index
        %swap3A_242 = arith.constant 16 : index
        %swap3A_243 = tpu.vector_load %arg8[%swap3A_241, %swap3A_242] {strides = array<i32>} : memref<128x128xf32, #tpu.memory_space<vmem>>, vector<1x16xf32>,
        %swap3A_244 = vector.shape_cast %swap3A_243 : vector<1x16xf32> to vector<16xf32>
        %swap3A_245 = vector.shape_cast %mul3A_240 : vector<16xf32> to vector<1x16xf32>
        tpu.vector_store %arg8[%swap3A_241, %swap3A_242], %swap3A_245 {strides = array<i32>} : memref<128x128xf32, #tpu.memory_space<vmem>>, vector<1x16xf32>,
        %get3A_246 = arith.index_cast %scan3A_223 : i32 to index
        %get3A_247 = arith.constant 32 : index
        %get3A_248 = tpu.vector_load %arg8[%get3A_246, %get3A_247] {strides = array<i32>} : memref<128x128xf32, #tpu.memory_space<vmem>>, vector<1x16xf32>,
        %get3A_249 = vector.shape_cast %get3A_248 : vector<1x16xf32> to vector<16xf32>
        %mul3A_250 = arith.constant 11.3137083 : f32
        %mul3A_251 = vector.broadcast %mul3A_250 : f32 to vector<16xf32>
        %mul3A_252 = arith.mulf %get3A_249, %mul3A_251 : vector<16xf32>
        %swap3A_253 = arith.index_cast %scan3A_223 : i32 to index
        %swap3A_254 = arith.constant 32 : index
        %swap3A_255 = tpu.vector_load %arg8[%swap3A_253, %swap3A_254] {strides = array<i32>} : memref<128x128xf32, #tpu.memory_space<vmem>>, vector<1x16xf32>,
        %swap3A_256 = vector.shape_cast %swap3A_255 : vector<1x16xf32> to vector<16xf32>
        %swap3A_257 = vector.shape_cast %mul3A_252 : vector<16xf32> to vector<1x16xf32>
        tpu.vector_store %arg8[%swap3A_253, %swap3A_254], %swap3A_257 {strides = array<i32>} : memref<128x128xf32, #tpu.memory_space<vmem>>, vector<1x16xf32>,
        %get3A_258 = arith.index_cast %scan3A_223 : i32 to index
        %get3A_259 = arith.constant 48 : index
        %get3A_260 = tpu.vector_load %arg8[%get3A_258, %get3A_259] {strides = array<i32>} : memref<128x128xf32, #tpu.memory_space<vmem>>, vector<1x16xf32>,
        %get3A_261 = vector.shape_cast %get3A_260 : vector<1x16xf32> to vector<16xf32>
        %mul3A_262 = arith.constant 11.3137083 : f32
        %mul3A_263 = vector.broadcast %mul3A_262 : f32 to vector<16xf32>
        %mul3A_264 = arith.mulf %get3A_261, %mul3A_263 : vector<16xf32>
        %swap3A_265 = arith.index_cast %scan3A_223 : i32 to index
        %swap3A_266 = arith.constant 48 : index
        %swap3A_267 = tpu.vector_load %arg8[%swap3A_265, %swap3A_266] {strides = array<i32>} : memref<128x128xf32, #tpu.memory_space<vmem>>, vector<1x16xf32>,
        %swap3A_268 = vector.shape_cast %swap3A_267 : vector<1x16xf32> to vector<16xf32>
        %swap3A_269 = vector.shape_cast %mul3A_264 : vector<16xf32> to vector<1x16xf32>
        tpu.vector_store %arg8[%swap3A_265, %swap3A_266], %swap3A_269 {strides = array<i32>} : memref<128x128xf32, #tpu.memory_space<vmem>>, vector<1x16xf32>,
        %get3A_270 = arith.index_cast %scan3A_223 : i32 to index
        %get3A_271 = arith.constant 64 : index
        %get3A_272 = tpu.vector_load %arg8[%get3A_270, %get3A_271] {strides = array<i32>} : memref<128x128xf32, #tpu.memory_space<vmem>>, vector<1x16xf32>,
        %get3A_273 = vector.shape_cast %get3A_272 : vector<1x16xf32> to vector<16xf32>
        %mul3A_274 = arith.constant 11.3137083 : f32
        %mul3A_275 = vector.broadcast %mul3A_274 : f32 to vector<16xf32>
        %mul3A_276 = arith.mulf %get3A_273, %mul3A_275 : vector<16xf32>
        %swap3A_277 = arith.index_cast %scan3A_223 : i32 to index
        %swap3A_278 = arith.constant 64 : index
        %swap3A_279 = tpu.vector_load %arg8[%swap3A_277, %swap3A_278] {strides = array<i32>} : memref<128x128xf32, #tpu.memory_space<vmem>>, vector<1x16xf32>,
        %swap3A_280 = vector.shape_cast %swap3A_279 : vector<1x16xf32> to vector<16xf32>
        %swap3A_281 = vector.shape_cast %mul3A_276 : vector<16xf32> to vector<1x16xf32>
        tpu.vector_store %arg8[%swap3A_277, %swap3A_278], %swap3A_281 {strides = array<i32>} : memref<128x128xf32, #tpu.memory_space<vmem>>, vector<1x16xf32>,
        %get3A_282 = arith.index_cast %scan3A_223 : i32 to index
        %get3A_283 = arith.constant 80 : index
        %get3A_284 = tpu.vector_load %arg8[%get3A_282, %get3A_283] {strides = array<i32>} : memref<128x128xf32, #tpu.memory_space<vmem>>, vector<1x16xf32>,
        %get3A_285 = vector.shape_cast %get3A_284 : vector<1x16xf32> to vector<16xf32>
        %mul3A_286 = arith.constant 11.3137083 : f32
        %mul3A_287 = vector.broadcast %mul3A_286 : f32 to vector<16xf32>
        %mul3A_288 = arith.mulf %get3A_285, %mul3A_287 : vector<16xf32>
        %swap3A_289 = arith.index_cast %scan3A_223 : i32 to index
        %swap3A_290 = arith.constant 80 : index
        %swap3A_291 = tpu.vector_load %arg8[%swap3A_289, %swap3A_290] {strides = array<i32>} : memref<128x128xf32, #tpu.memory_space<vmem>>, vector<1x16xf32>,
        %swap3A_292 = vector.shape_cast %swap3A_291 : vector<1x16xf32> to vector<16xf32>
        %swap3A_293 = vector.shape_cast %mul3A_288 : vector<16xf32> to vector<1x16xf32>
        tpu.vector_store %arg8[%swap3A_289, %swap3A_290], %swap3A_293 {strides = array<i32>} : memref<128x128xf32, #tpu.memory_space<vmem>>, vector<1x16xf32>,
        %get3A_294 = arith.index_cast %scan3A_223 : i32 to index
        %get3A_295 = arith.constant 96 : index
        %get3A_296 = tpu.vector_load %arg8[%get3A_294, %get3A_295] {strides = array<i32>} : memref<128x128xf32, #tpu.memory_space<vmem>>, vector<1x16xf32>,
        %get3A_297 = vector.shape_cast %get3A_296 : vector<1x16xf32> to vector<16xf32>
        %mul3A_298 = arith.constant 11.3137083 : f32
        %mul3A_299 = vector.broadcast %mul3A_298 : f32 to vector<16xf32>
        %mul3A_300 = arith.mulf %get3A_297, %mul3A_299 : vector<16xf32>
        %swap3A_301 = arith.index_cast %scan3A_223 : i32 to index
        %swap3A_302 = arith.constant 96 : index
        %swap3A_303 = tpu.vector_load %arg8[%swap3A_301, %swap3A_302] {strides = array<i32>} : memref<128x128xf32, #tpu.memory_space<vmem>>, vector<1x16xf32>,
        %swap3A_304 = vector.shape_cast %swap3A_303 : vector<1x16xf32> to vector<16xf32>
        %swap3A_305 = vector.shape_cast %mul3A_300 : vector<16xf32> to vector<1x16xf32>
        tpu.vector_store %arg8[%swap3A_301, %swap3A_302], %swap3A_305 {strides = array<i32>} : memref<128x128xf32, #tpu.memory_space<vmem>>, vector<1x16xf32>,
        %get3A_306 = arith.index_cast %scan3A_223 : i32 to index
        %get3A_307 = arith.constant 112 : index
        %get3A_308 = tpu.vector_load %arg8[%get3A_306, %get3A_307] {strides = array<i32>} : memref<128x128xf32, #tpu.memory_space<vmem>>, vector<1x16xf32>,
        %get3A_309 = vector.shape_cast %get3A_308 : vector<1x16xf32> to vector<16xf32>
        %mul3A_310 = arith.constant 11.3137083 : f32
        %mul3A_311 = vector.broadcast %mul3A_310 : f32 to vector<16xf32>
        %mul3A_312 = arith.mulf %get3A_309, %mul3A_311 : vector<16xf32>
        %swap3A_313 = arith.index_cast %scan3A_223 : i32 to index
        %swap3A_314 = arith.constant 112 : index
        %swap3A_315 = tpu.vector_load %arg8[%swap3A_313, %swap3A_314] {strides = array<i32>} : memref<128x128xf32, #tpu.memory_space<vmem>>, vector<1x16xf32>,
        %swap3A_316 = vector.shape_cast %swap3A_315 : vector<1x16xf32> to vector<16xf32>
        %swap3A_317 = vector.shape_cast %mul3A_312 : vector<16xf32> to vector<1x16xf32>
        tpu.vector_store %arg8[%swap3A_313, %swap3A_314], %swap3A_317 {strides = array<i32>} : memref<128x128xf32, #tpu.memory_space<vmem>>, vector<1x16xf32>,
      }
      %scan3A_152 = arith.constant 128 : i32
      %dma_start3A_153 = arith.constant 0 : i32
      %dma_start3A_154 = tpu.memref_slice %arg4[%add3A_130, %mul3A_2, %dma_start3A_153] : memref<50x4096x128xf32, #tpu.memory_space<hbm>> -> memref<1x128x128xf32, #tpu.memory_space<hbm>>
      %dma_start3A_155 = tpu.memref_squeeze %dma_start3A_154 : memref<1x128x128xf32, #tpu.memory_space<hbm>> -> memref<128x128xf32, #tpu.memory_space<hbm>>
      %dma_start3A_156 = arith.constant 0 : i32
      %dma_start3A_157 = tpu.memref_slice %arg4[%add3A_130, %mul3A_2, %dma_start3A_156] : memref<50x4096x128xf32, #tpu.memory_space<hbm>> -> memref<1x128x128xf32, #tpu.memory_space<hbm>>
      %dma_start3A_158 = tpu.memref_squeeze %dma_start3A_157 : memref<1x128x128xf32, #tpu.memory_space<hbm>> -> memref<128x128xf32, #tpu.memory_space<hbm>>
      tpu.enqueue_dma source(%arg8 : memref<128x128xf32, #tpu.memory_space<vmem>>) target(%dma_start3A_158 : memref<128x128xf32, #tpu.memory_space<hbm>>) target_semaphore(%arg18 : memref<!tpu.dma_semaphore, #tpu.memory_space<semaphore_mem>>)
      %mul3A_159 = arith.constant 5 : i32
      %mul3A_160 = arith.muli %scan3A_65, %mul3A_159 : i32
      %add3A_161 = arith.constant 3 : i32
      %add3A_162 = arith.addi %mul3A_160, %add3A_161 : i32
      %add3A_163 = arith.constant 2 : i32
      %add3A_164 = arith.addi %add3A_162, %add3A_163 : i32
      %lt3A_165 = arith.constant 50 : i32
      %lt3A_166 = arith.cmpi slt, %add3A_164, %lt3A_165 : i32
      %convert_element_type3A_167 = arith.extui %lt3A_166 : i1 to i32
      %cond3A_168 = arith.constant 0 : i32
      %cond3A_169 = arith.cmpi ne, %convert_element_type3A_167, %cond3A_168 : i32
      scf.if %cond3A_169 {
        %ge3A = arith.constant 5 : i32
        %ge3A_223 = arith.cmpi sge, %add3A_164, %ge3A : i32
        %convert_element_type3A_224 = arith.extui %ge3A_223 : i1 to i32
        %cond3A_225 = arith.constant 0 : i32
        %cond3A_226 = arith.cmpi ne, %convert_element_type3A_224, %cond3A_225 : i32
        scf.if %cond3A_226 {
          %dma_wait3A_233 = arith.constant 0 : i32
          %dma_wait3A_234 = arith.constant 0 : i32
          %dma_wait3A_235 = arith.constant 0 : i32
          %dma_wait3A_236 = tpu.memref_slice %arg4[%dma_wait3A_233, %dma_wait3A_234, %dma_wait3A_235] : memref<50x4096x128xf32, #tpu.memory_space<hbm>> -> memref<1x128x128xf32, #tpu.memory_space<hbm>>
          %dma_wait3A_237 = tpu.memref_squeeze %dma_wait3A_236 : memref<1x128x128xf32, #tpu.memory_space<hbm>> -> memref<128x128xf32, #tpu.memory_space<hbm>>
          %dma_wait3A_238 = arith.constant 0 : i32
          %dma_wait3A_239 = arith.constant 0 : i32
          %dma_wait3A_240 = tpu.memref_slice %arg4[%dma_wait3A_233, %dma_wait3A_238, %dma_wait3A_239] : memref<50x4096x128xf32, #tpu.memory_space<hbm>> -> memref<1x128x128xf32, #tpu.memory_space<hbm>>
          %dma_wait3A_241 = tpu.memref_squeeze %dma_wait3A_240 : memref<1x128x128xf32, #tpu.memory_space<hbm>> -> memref<128x128xf32, #tpu.memory_space<hbm>>
          tpu.wait_dma2 semaphore(%arg16 : memref<!tpu.dma_semaphore, #tpu.memory_space<semaphore_mem>>) src(%arg6 : memref<128x128xf32, #tpu.memory_space<vmem>>) dst(%dma_wait3A_241 : memref<128x128xf32, #tpu.memory_space<hbm>>)
        } else {
        }
        %dma_start3A_227 = arith.constant 0 : i32
        %dma_start3A_228 = tpu.memref_slice %arg5[%add3A_164, %dma_start3A_227] : memref<50x128xi32, #tpu.memory_space<vmem>> -> memref<1x128xi32, #tpu.memory_space<vmem>>
        %dma_start3A_229 = tpu.memref_squeeze %dma_start3A_228 : memref<1x128xi32, #tpu.memory_space<vmem>> -> memref<128xi32, #tpu.memory_space<vmem>>
        %dma_start3A_230 = arith.constant 0 : i32
        %dma_start3A_231 = arith.constant 0 : i32
        %dma_start3A_232 = tpu.memref_slice %arg3[%dma_start3A_230, %dma_start3A_231] : memref<100000x128xf32, #tpu.memory_space<hbm>> -> memref<100000x128xf32, #tpu.memory_space<hbm>>
        tpu.enqueue_indirect_dma source(%dma_start3A_232 : memref<100000x128xf32, #tpu.memory_space<hbm>>) target(%arg6 : memref<128x128xf32, #tpu.memory_space<vmem>>) offsets(%dma_start3A_229 : memref<128xi32, #tpu.memory_space<vmem>>) semaphore(%arg11 : memref<!tpu.dma_semaphore, #tpu.memory_space<semaphore_mem>>)
      } else {
      }
      %dma_wait3A_170 = arith.constant 0 : i32
      %dma_wait3A_171 = arith.constant 0 : i32
      %dma_wait3A_172 = arith.constant 0 : i32
      %dma_wait3A_173 = tpu.memref_slice %arg4[%dma_wait3A_170, %dma_wait3A_171, %dma_wait3A_172] : memref<50x4096x128xf32, #tpu.memory_space<hbm>> -> memref<1x128x128xf32, #tpu.memory_space<hbm>>
      %dma_wait3A_174 = tpu.memref_squeeze %dma_wait3A_173 : memref<1x128x128xf32, #tpu.memory_space<hbm>> -> memref<128x128xf32, #tpu.memory_space<hbm>>
      %dma_wait3A_175 = arith.constant 0 : i32
      %dma_wait3A_176 = arith.constant 0 : i32
      %dma_wait3A_177 = tpu.memref_slice %arg4[%dma_wait3A_170, %dma_wait3A_175, %dma_wait3A_176] : memref<50x4096x128xf32, #tpu.memory_space<hbm>> -> memref<1x128x128xf32, #tpu.memory_space<hbm>>
      %dma_wait3A_178 = tpu.memref_squeeze %dma_wait3A_177 : memref<1x128x128xf32, #tpu.memory_space<hbm>> -> memref<128x128xf32, #tpu.memory_space<hbm>>
      tpu.wait_dma2 semaphore(%arg14 : memref<!tpu.dma_semaphore, #tpu.memory_space<semaphore_mem>>) src(%dma_wait3A_178 : memref<128x128xf32, #tpu.memory_space<hbm>>) dst(%arg9 : memref<128x128xf32, #tpu.memory_space<vmem>>)
      %scan3A_179 = arith.constant 0 : i32
      %scan3A_180 = arith.constant 0 : i32
      %scan3A_181 = arith.constant 128 : i32
      %scan3A_182 = arith.addi %scan3A_180, %scan3A_181 : i32
      %scan3A_183 = arith.constant 1 : i32
      scf.for %scan3A_223 = %scan3A_180 to %scan3A_182 step %scan3A_183  : i32 {
        %get3A = arith.index_cast %scan3A_223 : i32 to index
        %get3A_224 = arith.constant 0 : index
        %get3A_225 = tpu.vector_load %arg9[%get3A, %get3A_224] {strides = array<i32>} : memref<128x128xf32, #tpu.memory_space<vmem>>, vector<1x16xf32>,
        %get3A_226 = vector.shape_cast %get3A_225 : vector<1x16xf32> to vector<16xf32>
        %mul3A_227 = arith.constant 11.3137083 : f32
        %mul3A_228 = vector.broadcast %mul3A_227 : f32 to vector<16xf32>
        %mul3A_229 = arith.mulf %get3A_226, %mul3A_228 : vector<16xf32>
        %swap3A = arith.index_cast %scan3A_223 : i32 to index
        %swap3A_230 = arith.constant 0 : index
        %swap3A_231 = tpu.vector_load %arg9[%swap3A, %swap3A_230] {strides = array<i32>} : memref<128x128xf32, #tpu.memory_space<vmem>>, vector<1x16xf32>,
        %swap3A_232 = vector.shape_cast %swap3A_231 : vector<1x16xf32> to vector<16xf32>
        %swap3A_233 = vector.shape_cast %mul3A_229 : vector<16xf32> to vector<1x16xf32>
        tpu.vector_store %arg9[%swap3A, %swap3A_230], %swap3A_233 {strides = array<i32>} : memref<128x128xf32, #tpu.memory_space<vmem>>, vector<1x16xf32>,
        %get3A_234 = arith.index_cast %scan3A_223 : i32 to index
        %get3A_235 = arith.constant 16 : index
        %get3A_236 = tpu.vector_load %arg9[%get3A_234, %get3A_235] {strides = array<i32>} : memref<128x128xf32, #tpu.memory_space<vmem>>, vector<1x16xf32>,
        %get3A_237 = vector.shape_cast %get3A_236 : vector<1x16xf32> to vector<16xf32>
        %mul3A_238 = arith.constant 11.3137083 : f32
        %mul3A_239 = vector.broadcast %mul3A_238 : f32 to vector<16xf32>
        %mul3A_240 = arith.mulf %get3A_237, %mul3A_239 : vector<16xf32>
        %swap3A_241 = arith.index_cast %scan3A_223 : i32 to index
        %swap3A_242 = arith.constant 16 : index
        %swap3A_243 = tpu.vector_load %arg9[%swap3A_241, %swap3A_242] {strides = array<i32>} : memref<128x128xf32, #tpu.memory_space<vmem>>, vector<1x16xf32>,
        %swap3A_244 = vector.shape_cast %swap3A_243 : vector<1x16xf32> to vector<16xf32>
        %swap3A_245 = vector.shape_cast %mul3A_240 : vector<16xf32> to vector<1x16xf32>
        tpu.vector_store %arg9[%swap3A_241, %swap3A_242], %swap3A_245 {strides = array<i32>} : memref<128x128xf32, #tpu.memory_space<vmem>>, vector<1x16xf32>,
        %get3A_246 = arith.index_cast %scan3A_223 : i32 to index
        %get3A_247 = arith.constant 32 : index
        %get3A_248 = tpu.vector_load %arg9[%get3A_246, %get3A_247] {strides = array<i32>} : memref<128x128xf32, #tpu.memory_space<vmem>>, vector<1x16xf32>,
        %get3A_249 = vector.shape_cast %get3A_248 : vector<1x16xf32> to vector<16xf32>
        %mul3A_250 = arith.constant 11.3137083 : f32
        %mul3A_251 = vector.broadcast %mul3A_250 : f32 to vector<16xf32>
        %mul3A_252 = arith.mulf %get3A_249, %mul3A_251 : vector<16xf32>
        %swap3A_253 = arith.index_cast %scan3A_223 : i32 to index
        %swap3A_254 = arith.constant 32 : index
        %swap3A_255 = tpu.vector_load %arg9[%swap3A_253, %swap3A_254] {strides = array<i32>} : memref<128x128xf32, #tpu.memory_space<vmem>>, vector<1x16xf32>,
        %swap3A_256 = vector.shape_cast %swap3A_255 : vector<1x16xf32> to vector<16xf32>
        %swap3A_257 = vector.shape_cast %mul3A_252 : vector<16xf32> to vector<1x16xf32>
        tpu.vector_store %arg9[%swap3A_253, %swap3A_254], %swap3A_257 {strides = array<i32>} : memref<128x128xf32, #tpu.memory_space<vmem>>, vector<1x16xf32>,
        %get3A_258 = arith.index_cast %scan3A_223 : i32 to index
        %get3A_259 = arith.constant 48 : index
        %get3A_260 = tpu.vector_load %arg9[%get3A_258, %get3A_259] {strides = array<i32>} : memref<128x128xf32, #tpu.memory_space<vmem>>, vector<1x16xf32>,
        %get3A_261 = vector.shape_cast %get3A_260 : vector<1x16xf32> to vector<16xf32>
        %mul3A_262 = arith.constant 11.3137083 : f32
        %mul3A_263 = vector.broadcast %mul3A_262 : f32 to vector<16xf32>
        %mul3A_264 = arith.mulf %get3A_261, %mul3A_263 : vector<16xf32>
        %swap3A_265 = arith.index_cast %scan3A_223 : i32 to index
        %swap3A_266 = arith.constant 48 : index
        %swap3A_267 = tpu.vector_load %arg9[%swap3A_265, %swap3A_266] {strides = array<i32>} : memref<128x128xf32, #tpu.memory_space<vmem>>, vector<1x16xf32>,
        %swap3A_268 = vector.shape_cast %swap3A_267 : vector<1x16xf32> to vector<16xf32>
        %swap3A_269 = vector.shape_cast %mul3A_264 : vector<16xf32> to vector<1x16xf32>
        tpu.vector_store %arg9[%swap3A_265, %swap3A_266], %swap3A_269 {strides = array<i32>} : memref<128x128xf32, #tpu.memory_space<vmem>>, vector<1x16xf32>,
        %get3A_270 = arith.index_cast %scan3A_223 : i32 to index
        %get3A_271 = arith.constant 64 : index
        %get3A_272 = tpu.vector_load %arg9[%get3A_270, %get3A_271] {strides = array<i32>} : memref<128x128xf32, #tpu.memory_space<vmem>>, vector<1x16xf32>,
        %get3A_273 = vector.shape_cast %get3A_272 : vector<1x16xf32> to vector<16xf32>
        %mul3A_274 = arith.constant 11.3137083 : f32
        %mul3A_275 = vector.broadcast %mul3A_274 : f32 to vector<16xf32>
        %mul3A_276 = arith.mulf %get3A_273, %mul3A_275 : vector<16xf32>
        %swap3A_277 = arith.index_cast %scan3A_223 : i32 to index
        %swap3A_278 = arith.constant 64 : index
        %swap3A_279 = tpu.vector_load %arg9[%swap3A_277, %swap3A_278] {strides = array<i32>} : memref<128x128xf32, #tpu.memory_space<vmem>>, vector<1x16xf32>,
        %swap3A_280 = vector.shape_cast %swap3A_279 : vector<1x16xf32> to vector<16xf32>
        %swap3A_281 = vector.shape_cast %mul3A_276 : vector<16xf32> to vector<1x16xf32>
        tpu.vector_store %arg9[%swap3A_277, %swap3A_278], %swap3A_281 {strides = array<i32>} : memref<128x128xf32, #tpu.memory_space<vmem>>, vector<1x16xf32>,
        %get3A_282 = arith.index_cast %scan3A_223 : i32 to index
        %get3A_283 = arith.constant 80 : index
        %get3A_284 = tpu.vector_load %arg9[%get3A_282, %get3A_283] {strides = array<i32>} : memref<128x128xf32, #tpu.memory_space<vmem>>, vector<1x16xf32>,
        %get3A_285 = vector.shape_cast %get3A_284 : vector<1x16xf32> to vector<16xf32>
        %mul3A_286 = arith.constant 11.3137083 : f32
        %mul3A_287 = vector.broadcast %mul3A_286 : f32 to vector<16xf32>
        %mul3A_288 = arith.mulf %get3A_285, %mul3A_287 : vector<16xf32>
        %swap3A_289 = arith.index_cast %scan3A_223 : i32 to index
        %swap3A_290 = arith.constant 80 : index
        %swap3A_291 = tpu.vector_load %arg9[%swap3A_289, %swap3A_290] {strides = array<i32>} : memref<128x128xf32, #tpu.memory_space<vmem>>, vector<1x16xf32>,
        %swap3A_292 = vector.shape_cast %swap3A_291 : vector<1x16xf32> to vector<16xf32>
        %swap3A_293 = vector.shape_cast %mul3A_288 : vector<16xf32> to vector<1x16xf32>
        tpu.vector_store %arg9[%swap3A_289, %swap3A_290], %swap3A_293 {strides = array<i32>} : memref<128x128xf32, #tpu.memory_space<vmem>>, vector<1x16xf32>,
        %get3A_294 = arith.index_cast %scan3A_223 : i32 to index
        %get3A_295 = arith.constant 96 : index
        %get3A_296 = tpu.vector_load %arg9[%get3A_294, %get3A_295] {strides = array<i32>} : memref<128x128xf32, #tpu.memory_space<vmem>>, vector<1x16xf32>,
        %get3A_297 = vector.shape_cast %get3A_296 : vector<1x16xf32> to vector<16xf32>
        %mul3A_298 = arith.constant 11.3137083 : f32
        %mul3A_299 = vector.broadcast %mul3A_298 : f32 to vector<16xf32>
        %mul3A_300 = arith.mulf %get3A_297, %mul3A_299 : vector<16xf32>
        %swap3A_301 = arith.index_cast %scan3A_223 : i32 to index
        %swap3A_302 = arith.constant 96 : index
        %swap3A_303 = tpu.vector_load %arg9[%swap3A_301, %swap3A_302] {strides = array<i32>} : memref<128x128xf32, #tpu.memory_space<vmem>>, vector<1x16xf32>,
        %swap3A_304 = vector.shape_cast %swap3A_303 : vector<1x16xf32> to vector<16xf32>
        %swap3A_305 = vector.shape_cast %mul3A_300 : vector<16xf32> to vector<1x16xf32>
        tpu.vector_store %arg9[%swap3A_301, %swap3A_302], %swap3A_305 {strides = array<i32>} : memref<128x128xf32, #tpu.memory_space<vmem>>, vector<1x16xf32>,
        %get3A_306 = arith.index_cast %scan3A_223 : i32 to index
        %get3A_307 = arith.constant 112 : index
        %get3A_308 = tpu.vector_load %arg9[%get3A_306, %get3A_307] {strides = array<i32>} : memref<128x128xf32, #tpu.memory_space<vmem>>, vector<1x16xf32>,
        %get3A_309 = vector.shape_cast %get3A_308 : vector<1x16xf32> to vector<16xf32>
        %mul3A_310 = arith.constant 11.3137083 : f32
        %mul3A_311 = vector.broadcast %mul3A_310 : f32 to vector<16xf32>
        %mul3A_312 = arith.mulf %get3A_309, %mul3A_311 : vector<16xf32>
        %swap3A_313 = arith.index_cast %scan3A_223 : i32 to index
        %swap3A_314 = arith.constant 112 : index
        %swap3A_315 = tpu.vector_load %arg9[%swap3A_313, %swap3A_314] {strides = array<i32>} : memref<128x128xf32, #tpu.memory_space<vmem>>, vector<1x16xf32>,
        %swap3A_316 = vector.shape_cast %swap3A_315 : vector<1x16xf32> to vector<16xf32>
        %swap3A_317 = vector.shape_cast %mul3A_312 : vector<16xf32> to vector<1x16xf32>
        tpu.vector_store %arg9[%swap3A_313, %swap3A_314], %swap3A_317 {strides = array<i32>} : memref<128x128xf32, #tpu.memory_space<vmem>>, vector<1x16xf32>,
      }
      %scan3A_184 = arith.constant 128 : i32
      %dma_start3A_185 = arith.constant 0 : i32
      %dma_start3A_186 = tpu.memref_slice %arg4[%add3A_162, %mul3A_2, %dma_start3A_185] : memref<50x4096x128xf32, #tpu.memory_space<hbm>> -> memref<1x128x128xf32, #tpu.memory_space<hbm>>
      %dma_start3A_187 = tpu.memref_squeeze %dma_start3A_186 : memref<1x128x128xf32, #tpu.memory_space<hbm>> -> memref<128x128xf32, #tpu.memory_space<hbm>>
      %dma_start3A_188 = arith.constant 0 : i32
      %dma_start3A_189 = tpu.memref_slice %arg4[%add3A_162, %mul3A_2, %dma_start3A_188] : memref<50x4096x128xf32, #tpu.memory_space<hbm>> -> memref<1x128x128xf32, #tpu.memory_space<hbm>>
      %dma_start3A_190 = tpu.memref_squeeze %dma_start3A_189 : memref<1x128x128xf32, #tpu.memory_space<hbm>> -> memref<128x128xf32, #tpu.memory_space<hbm>>
      tpu.enqueue_dma source(%arg9 : memref<128x128xf32, #tpu.memory_space<vmem>>) target(%dma_start3A_190 : memref<128x128xf32, #tpu.memory_space<hbm>>) target_semaphore(%arg19 : memref<!tpu.dma_semaphore, #tpu.memory_space<semaphore_mem>>)
      %mul3A_191 = arith.constant 5 : i32
      %mul3A_192 = arith.muli %scan3A_65, %mul3A_191 : i32
      %add3A_193 = arith.constant 4 : i32
      %add3A_194 = arith.addi %mul3A_192, %add3A_193 : i32
      %add3A_195 = arith.constant 2 : i32
      %add3A_196 = arith.addi %add3A_194, %add3A_195 : i32
      %lt3A_197 = arith.constant 50 : i32
      %lt3A_198 = arith.cmpi slt, %add3A_196, %lt3A_197 : i32
      %convert_element_type3A_199 = arith.extui %lt3A_198 : i1 to i32
      %cond3A_200 = arith.constant 0 : i32
      %cond3A_201 = arith.cmpi ne, %convert_element_type3A_199, %cond3A_200 : i32
      scf.if %cond3A_201 {
        %ge3A = arith.constant 5 : i32
        %ge3A_223 = arith.cmpi sge, %add3A_196, %ge3A : i32
        %convert_element_type3A_224 = arith.extui %ge3A_223 : i1 to i32
        %cond3A_225 = arith.constant 0 : i32
        %cond3A_226 = arith.cmpi ne, %convert_element_type3A_224, %cond3A_225 : i32
        scf.if %cond3A_226 {
          %dma_wait3A_233 = arith.constant 0 : i32
          %dma_wait3A_234 = arith.constant 0 : i32
          %dma_wait3A_235 = arith.constant 0 : i32
          %dma_wait3A_236 = tpu.memref_slice %arg4[%dma_wait3A_233, %dma_wait3A_234, %dma_wait3A_235] : memref<50x4096x128xf32, #tpu.memory_space<hbm>> -> memref<1x128x128xf32, #tpu.memory_space<hbm>>
          %dma_wait3A_237 = tpu.memref_squeeze %dma_wait3A_236 : memref<1x128x128xf32, #tpu.memory_space<hbm>> -> memref<128x128xf32, #tpu.memory_space<hbm>>
          %dma_wait3A_238 = arith.constant 0 : i32
          %dma_wait3A_239 = arith.constant 0 : i32
          %dma_wait3A_240 = tpu.memref_slice %arg4[%dma_wait3A_233, %dma_wait3A_238, %dma_wait3A_239] : memref<50x4096x128xf32, #tpu.memory_space<hbm>> -> memref<1x128x128xf32, #tpu.memory_space<hbm>>
          %dma_wait3A_241 = tpu.memref_squeeze %dma_wait3A_240 : memref<1x128x128xf32, #tpu.memory_space<hbm>> -> memref<128x128xf32, #tpu.memory_space<hbm>>
          tpu.wait_dma2 semaphore(%arg17 : memref<!tpu.dma_semaphore, #tpu.memory_space<semaphore_mem>>) src(%arg7 : memref<128x128xf32, #tpu.memory_space<vmem>>) dst(%dma_wait3A_241 : memref<128x128xf32, #tpu.memory_space<hbm>>)
        } else {
        }
        %dma_start3A_227 = arith.constant 0 : i32
        %dma_start3A_228 = tpu.memref_slice %arg5[%add3A_196, %dma_start3A_227] : memref<50x128xi32, #tpu.memory_space<vmem>> -> memref<1x128xi32, #tpu.memory_space<vmem>>
        %dma_start3A_229 = tpu.memref_squeeze %dma_start3A_228 : memref<1x128xi32, #tpu.memory_space<vmem>> -> memref<128xi32, #tpu.memory_space<vmem>>
        %dma_start3A_230 = arith.constant 0 : i32
        %dma_start3A_231 = arith.constant 0 : i32
        %dma_start3A_232 = tpu.memref_slice %arg3[%dma_start3A_230, %dma_start3A_231] : memref<100000x128xf32, #tpu.memory_space<hbm>> -> memref<100000x128xf32, #tpu.memory_space<hbm>>
        tpu.enqueue_indirect_dma source(%dma_start3A_232 : memref<100000x128xf32, #tpu.memory_space<hbm>>) target(%arg7 : memref<128x128xf32, #tpu.memory_space<vmem>>) offsets(%dma_start3A_229 : memref<128xi32, #tpu.memory_space<vmem>>) semaphore(%arg12 : memref<!tpu.dma_semaphore, #tpu.memory_space<semaphore_mem>>)
      } else {
      }
      %dma_wait3A_202 = arith.constant 0 : i32
      %dma_wait3A_203 = arith.constant 0 : i32
      %dma_wait3A_204 = arith.constant 0 : i32
      %dma_wait3A_205 = tpu.memref_slice %arg4[%dma_wait3A_202, %dma_wait3A_203, %dma_wait3A_204] : memref<50x4096x128xf32, #tpu.memory_space<hbm>> -> memref<1x128x128xf32, #tpu.memory_space<hbm>>
      %dma_wait3A_206 = tpu.memref_squeeze %dma_wait3A_205 : memref<1x128x128xf32, #tpu.memory_space<hbm>> -> memref<128x128xf32, #tpu.memory_space<hbm>>
      %dma_wait3A_207 = arith.constant 0 : i32
      %dma_wait3A_208 = arith.constant 0 : i32
      %dma_wait3A_209 = tpu.memref_slice %arg4[%dma_wait3A_202, %dma_wait3A_207, %dma_wait3A_208] : memref<50x4096x128xf32, #tpu.memory_space<hbm>> -> memref<1x128x128xf32, #tpu.memory_space<hbm>>
      %dma_wait3A_210 = tpu.memref_squeeze %dma_wait3A_209 : memref<1x128x128xf32, #tpu.memory_space<hbm>> -> memref<128x128xf32, #tpu.memory_space<hbm>>
      tpu.wait_dma2 semaphore(%arg15 : memref<!tpu.dma_semaphore, #tpu.memory_space<semaphore_mem>>) src(%dma_wait3A_210 : memref<128x128xf32, #tpu.memory_space<hbm>>) dst(%arg10 : memref<128x128xf32, #tpu.memory_space<vmem>>)
      %scan3A_211 = arith.constant 0 : i32
      %scan3A_212 = arith.constant 0 : i32
      %scan3A_213 = arith.constant 128 : i32
      %scan3A_214 = arith.addi %scan3A_212, %scan3A_213 : i32
      %scan3A_215 = arith.constant 1 : i32
      scf.for %scan3A_223 = %scan3A_212 to %scan3A_214 step %scan3A_215  : i32 {
        %get3A = arith.index_cast %scan3A_223 : i32 to index
        %get3A_224 = arith.constant 0 : index
        %get3A_225 = tpu.vector_load %arg10[%get3A, %get3A_224] {strides = array<i32>} : memref<128x128xf32, #tpu.memory_space<vmem>>, vector<1x16xf32>,
        %get3A_226 = vector.shape_cast %get3A_225 : vector<1x16xf32> to vector<16xf32>
        %mul3A_227 = arith.constant 11.3137083 : f32
        %mul3A_228 = vector.broadcast %mul3A_227 : f32 to vector<16xf32>
        %mul3A_229 = arith.mulf %get3A_226, %mul3A_228 : vector<16xf32>
        %swap3A = arith.index_cast %scan3A_223 : i32 to index
        %swap3A_230 = arith.constant 0 : index
        %swap3A_231 = tpu.vector_load %arg10[%swap3A, %swap3A_230] {strides = array<i32>} : memref<128x128xf32, #tpu.memory_space<vmem>>, vector<1x16xf32>,
        %swap3A_232 = vector.shape_cast %swap3A_231 : vector<1x16xf32> to vector<16xf32>
        %swap3A_233 = vector.shape_cast %mul3A_229 : vector<16xf32> to vector<1x16xf32>
        tpu.vector_store %arg10[%swap3A, %swap3A_230], %swap3A_233 {strides = array<i32>} : memref<128x128xf32, #tpu.memory_space<vmem>>, vector<1x16xf32>,
        %get3A_234 = arith.index_cast %scan3A_223 : i32 to index
        %get3A_235 = arith.constant 16 : index
        %get3A_236 = tpu.vector_load %arg10[%get3A_234, %get3A_235] {strides = array<i32>} : memref<128x128xf32, #tpu.memory_space<vmem>>, vector<1x16xf32>,
        %get3A_237 = vector.shape_cast %get3A_236 : vector<1x16xf32> to vector<16xf32>
        %mul3A_238 = arith.constant 11.3137083 : f32
        %mul3A_239 = vector.broadcast %mul3A_238 : f32 to vector<16xf32>
        %mul3A_240 = arith.mulf %get3A_237, %mul3A_239 : vector<16xf32>
        %swap3A_241 = arith.index_cast %scan3A_223 : i32 to index
        %swap3A_242 = arith.constant 16 : index
        %swap3A_243 = tpu.vector_load %arg10[%swap3A_241, %swap3A_242] {strides = array<i32>} : memref<128x128xf32, #tpu.memory_space<vmem>>, vector<1x16xf32>,
        %swap3A_244 = vector.shape_cast %swap3A_243 : vector<1x16xf32> to vector<16xf32>
        %swap3A_245 = vector.shape_cast %mul3A_240 : vector<16xf32> to vector<1x16xf32>
        tpu.vector_store %arg10[%swap3A_241, %swap3A_242], %swap3A_245 {strides = array<i32>} : memref<128x128xf32, #tpu.memory_space<vmem>>, vector<1x16xf32>,
        %get3A_246 = arith.index_cast %scan3A_223 : i32 to index
        %get3A_247 = arith.constant 32 : index
        %get3A_248 = tpu.vector_load %arg10[%get3A_246, %get3A_247] {strides = array<i32>} : memref<128x128xf32, #tpu.memory_space<vmem>>, vector<1x16xf32>,
        %get3A_249 = vector.shape_cast %get3A_248 : vector<1x16xf32> to vector<16xf32>
        %mul3A_250 = arith.constant 11.3137083 : f32
        %mul3A_251 = vector.broadcast %mul3A_250 : f32 to vector<16xf32>
        %mul3A_252 = arith.mulf %get3A_249, %mul3A_251 : vector<16xf32>
        %swap3A_253 = arith.index_cast %scan3A_223 : i32 to index
        %swap3A_254 = arith.constant 32 : index
        %swap3A_255 = tpu.vector_load %arg10[%swap3A_253, %swap3A_254] {strides = array<i32>} : memref<128x128xf32, #tpu.memory_space<vmem>>, vector<1x16xf32>,
        %swap3A_256 = vector.shape_cast %swap3A_255 : vector<1x16xf32> to vector<16xf32>
        %swap3A_257 = vector.shape_cast %mul3A_252 : vector<16xf32> to vector<1x16xf32>
        tpu.vector_store %arg10[%swap3A_253, %swap3A_254], %swap3A_257 {strides = array<i32>} : memref<128x128xf32, #tpu.memory_space<vmem>>, vector<1x16xf32>,
        %get3A_258 = arith.index_cast %scan3A_223 : i32 to index
        %get3A_259 = arith.constant 48 : index
        %get3A_260 = tpu.vector_load %arg10[%get3A_258, %get3A_259] {strides = array<i32>} : memref<128x128xf32, #tpu.memory_space<vmem>>, vector<1x16xf32>,
        %get3A_261 = vector.shape_cast %get3A_260 : vector<1x16xf32> to vector<16xf32>
        %mul3A_262 = arith.constant 11.3137083 : f32
        %mul3A_263 = vector.broadcast %mul3A_262 : f32 to vector<16xf32>
        %mul3A_264 = arith.mulf %get3A_261, %mul3A_263 : vector<16xf32>
        %swap3A_265 = arith.index_cast %scan3A_223 : i32 to index
        %swap3A_266 = arith.constant 48 : index
        %swap3A_267 = tpu.vector_load %arg10[%swap3A_265, %swap3A_266] {strides = array<i32>} : memref<128x128xf32, #tpu.memory_space<vmem>>, vector<1x16xf32>,
        %swap3A_268 = vector.shape_cast %swap3A_267 : vector<1x16xf32> to vector<16xf32>
        %swap3A_269 = vector.shape_cast %mul3A_264 : vector<16xf32> to vector<1x16xf32>
        tpu.vector_store %arg10[%swap3A_265, %swap3A_266], %swap3A_269 {strides = array<i32>} : memref<128x128xf32, #tpu.memory_space<vmem>>, vector<1x16xf32>,
        %get3A_270 = arith.index_cast %scan3A_223 : i32 to index
        %get3A_271 = arith.constant 64 : index
        %get3A_272 = tpu.vector_load %arg10[%get3A_270, %get3A_271] {strides = array<i32>} : memref<128x128xf32, #tpu.memory_space<vmem>>, vector<1x16xf32>,
        %get3A_273 = vector.shape_cast %get3A_272 : vector<1x16xf32> to vector<16xf32>
        %mul3A_274 = arith.constant 11.3137083 : f32
        %mul3A_275 = vector.broadcast %mul3A_274 : f32 to vector<16xf32>
        %mul3A_276 = arith.mulf %get3A_273, %mul3A_275 : vector<16xf32>
        %swap3A_277 = arith.index_cast %scan3A_223 : i32 to index
        %swap3A_278 = arith.constant 64 : index
        %swap3A_279 = tpu.vector_load %arg10[%swap3A_277, %swap3A_278] {strides = array<i32>} : memref<128x128xf32, #tpu.memory_space<vmem>>, vector<1x16xf32>,
        %swap3A_280 = vector.shape_cast %swap3A_279 : vector<1x16xf32> to vector<16xf32>
        %swap3A_281 = vector.shape_cast %mul3A_276 : vector<16xf32> to vector<1x16xf32>
        tpu.vector_store %arg10[%swap3A_277, %swap3A_278], %swap3A_281 {strides = array<i32>} : memref<128x128xf32, #tpu.memory_space<vmem>>, vector<1x16xf32>,
        %get3A_282 = arith.index_cast %scan3A_223 : i32 to index
        %get3A_283 = arith.constant 80 : index
        %get3A_284 = tpu.vector_load %arg10[%get3A_282, %get3A_283] {strides = array<i32>} : memref<128x128xf32, #tpu.memory_space<vmem>>, vector<1x16xf32>,
        %get3A_285 = vector.shape_cast %get3A_284 : vector<1x16xf32> to vector<16xf32>
        %mul3A_286 = arith.constant 11.3137083 : f32
        %mul3A_287 = vector.broadcast %mul3A_286 : f32 to vector<16xf32>
        %mul3A_288 = arith.mulf %get3A_285, %mul3A_287 : vector<16xf32>
        %swap3A_289 = arith.index_cast %scan3A_223 : i32 to index
        %swap3A_290 = arith.constant 80 : index
        %swap3A_291 = tpu.vector_load %arg10[%swap3A_289, %swap3A_290] {strides = array<i32>} : memref<128x128xf32, #tpu.memory_space<vmem>>, vector<1x16xf32>,
        %swap3A_292 = vector.shape_cast %swap3A_291 : vector<1x16xf32> to vector<16xf32>
        %swap3A_293 = vector.shape_cast %mul3A_288 : vector<16xf32> to vector<1x16xf32>
        tpu.vector_store %arg10[%swap3A_289, %swap3A_290], %swap3A_293 {strides = array<i32>} : memref<128x128xf32, #tpu.memory_space<vmem>>, vector<1x16xf32>,
        %get3A_294 = arith.index_cast %scan3A_223 : i32 to index
        %get3A_295 = arith.constant 96 : index
        %get3A_296 = tpu.vector_load %arg10[%get3A_294, %get3A_295] {strides = array<i32>} : memref<128x128xf32, #tpu.memory_space<vmem>>, vector<1x16xf32>,
        %get3A_297 = vector.shape_cast %get3A_296 : vector<1x16xf32> to vector<16xf32>
        %mul3A_298 = arith.constant 11.3137083 : f32
        %mul3A_299 = vector.broadcast %mul3A_298 : f32 to vector<16xf32>
        %mul3A_300 = arith.mulf %get3A_297, %mul3A_299 : vector<16xf32>
        %swap3A_301 = arith.index_cast %scan3A_223 : i32 to index
        %swap3A_302 = arith.constant 96 : index
        %swap3A_303 = tpu.vector_load %arg10[%swap3A_301, %swap3A_302] {strides = array<i32>} : memref<128x128xf32, #tpu.memory_space<vmem>>, vector<1x16xf32>,
        %swap3A_304 = vector.shape_cast %swap3A_303 : vector<1x16xf32> to vector<16xf32>
        %swap3A_305 = vector.shape_cast %mul3A_300 : vector<16xf32> to vector<1x16xf32>
        tpu.vector_store %arg10[%swap3A_301, %swap3A_302], %swap3A_305 {strides = array<i32>} : memref<128x128xf32, #tpu.memory_space<vmem>>, vector<1x16xf32>,
        %get3A_306 = arith.index_cast %scan3A_223 : i32 to index
        %get3A_307 = arith.constant 112 : index
        %get3A_308 = tpu.vector_load %arg10[%get3A_306, %get3A_307] {strides = array<i32>} : memref<128x128xf32, #tpu.memory_space<vmem>>, vector<1x16xf32>,
        %get3A_309 = vector.shape_cast %get3A_308 : vector<1x16xf32> to vector<16xf32>
        %mul3A_310 = arith.constant 11.3137083 : f32
        %mul3A_311 = vector.broadcast %mul3A_310 : f32 to vector<16xf32>
        %mul3A_312 = arith.mulf %get3A_309, %mul3A_311 : vector<16xf32>
        %swap3A_313 = arith.index_cast %scan3A_223 : i32 to index
        %swap3A_314 = arith.constant 112 : index
        %swap3A_315 = tpu.vector_load %arg10[%swap3A_313, %swap3A_314] {strides = array<i32>} : memref<128x128xf32, #tpu.memory_space<vmem>>, vector<1x16xf32>,
        %swap3A_316 = vector.shape_cast %swap3A_315 : vector<1x16xf32> to vector<16xf32>
        %swap3A_317 = vector.shape_cast %mul3A_312 : vector<16xf32> to vector<1x16xf32>
        tpu.vector_store %arg10[%swap3A_313, %swap3A_314], %swap3A_317 {strides = array<i32>} : memref<128x128xf32, #tpu.memory_space<vmem>>, vector<1x16xf32>,
      }
      %scan3A_216 = arith.constant 128 : i32
      %dma_start3A_217 = arith.constant 0 : i32
      %dma_start3A_218 = tpu.memref_slice %arg4[%add3A_194, %mul3A_2, %dma_start3A_217] : memref<50x4096x128xf32, #tpu.memory_space<hbm>> -> memref<1x128x128xf32, #tpu.memory_space<hbm>>
      %dma_start3A_219 = tpu.memref_squeeze %dma_start3A_218 : memref<1x128x128xf32, #tpu.memory_space<hbm>> -> memref<128x128xf32, #tpu.memory_space<hbm>>
      %dma_start3A_220 = arith.constant 0 : i32
      %dma_start3A_221 = tpu.memref_slice %arg4[%add3A_194, %mul3A_2, %dma_start3A_220] : memref<50x4096x128xf32, #tpu.memory_space<hbm>> -> memref<1x128x128xf32, #tpu.memory_space<hbm>>
      %dma_start3A_222 = tpu.memref_squeeze %dma_start3A_221 : memref<1x128x128xf32, #tpu.memory_space<hbm>> -> memref<128x128xf32, #tpu.memory_space<hbm>>
      tpu.enqueue_dma source(%arg10 : memref<128x128xf32, #tpu.memory_space<vmem>>) target(%dma_start3A_222 : memref<128x128xf32, #tpu.memory_space<hbm>>) target_semaphore(%arg20 : memref<!tpu.dma_semaphore, #tpu.memory_space<semaphore_mem>>)
    }
    %scan3A_20 = arith.constant 10 : i32
    %dma_wait3A = arith.constant 0 : i32
    %dma_wait3A_21 = arith.constant 0 : i32
    %dma_wait3A_22 = arith.constant 0 : i32
    %dma_wait3A_23 = tpu.memref_slice %arg4[%dma_wait3A, %dma_wait3A_21, %dma_wait3A_22] : memref<50x4096x128xf32, #tpu.memory_space<hbm>> -> memref<1x128x128xf32, #tpu.memory_space<hbm>>
    %dma_wait3A_24 = tpu.memref_squeeze %dma_wait3A_23 : memref<1x128x128xf32, #tpu.memory_space<hbm>> -> memref<128x128xf32, #tpu.memory_space<hbm>>
    %dma_wait3A_25 = arith.constant 0 : i32
    %dma_wait3A_26 = arith.constant 0 : i32
    %dma_wait3A_27 = tpu.memref_slice %arg4[%dma_wait3A, %dma_wait3A_25, %dma_wait3A_26] : memref<50x4096x128xf32, #tpu.memory_space<hbm>> -> memref<1x128x128xf32, #tpu.memory_space<hbm>>
    %dma_wait3A_28 = tpu.memref_squeeze %dma_wait3A_27 : memref<1x128x128xf32, #tpu.memory_space<hbm>> -> memref<128x128xf32, #tpu.memory_space<hbm>>
    tpu.wait_dma2 semaphore(%arg16 : memref<!tpu.dma_semaphore, #tpu.memory_space<semaphore_mem>>) src(%arg6 : memref<128x128xf32, #tpu.memory_space<vmem>>) dst(%dma_wait3A_28 : memref<128x128xf32, #tpu.memory_space<hbm>>)
    %dma_wait3A_29 = arith.constant 0 : i32
    %dma_wait3A_30 = arith.constant 0 : i32
    %dma_wait3A_31 = arith.constant 0 : i32
    %dma_wait3A_32 = tpu.memref_slice %arg4[%dma_wait3A_29, %dma_wait3A_30, %dma_wait3A_31] : memref<50x4096x128xf32, #tpu.memory_space<hbm>> -> memref<1x128x128xf32, #tpu.memory_space<hbm>>
    %dma_wait3A_33 = tpu.memref_squeeze %dma_wait3A_32 : memref<1x128x128xf32, #tpu.memory_space<hbm>> -> memref<128x128xf32, #tpu.memory_space<hbm>>
    %dma_wait3A_34 = arith.constant 0 : i32
    %dma_wait3A_35 = arith.constant 0 : i32
    %dma_wait3A_36 = tpu.memref_slice %arg4[%dma_wait3A_29, %dma_wait3A_34, %dma_wait3A_35] : memref<50x4096x128xf32, #tpu.memory_space<hbm>> -> memref<1x128x128xf32, #tpu.memory_space<hbm>>
    %dma_wait3A_37 = tpu.memref_squeeze %dma_wait3A_36 : memref<1x128x128xf32, #tpu.memory_space<hbm>> -> memref<128x128xf32, #tpu.memory_space<hbm>>
    tpu.wait_dma2 semaphore(%arg17 : memref<!tpu.dma_semaphore, #tpu.memory_space<semaphore_mem>>) src(%arg7 : memref<128x128xf32, #tpu.memory_space<vmem>>) dst(%dma_wait3A_37 : memref<128x128xf32, #tpu.memory_space<hbm>>)
    %dma_wait3A_38 = arith.constant 0 : i32
    %dma_wait3A_39 = arith.constant 0 : i32
    %dma_wait3A_40 = arith.constant 0 : i32
    %dma_wait3A_41 = tpu.memref_slice %arg4[%dma_wait3A_38, %dma_wait3A_39, %dma_wait3A_40] : memref<50x4096x128xf32, #tpu.memory_space<hbm>> -> memref<1x128x128xf32, #tpu.memory_space<hbm>>
    %dma_wait3A_42 = tpu.memref_squeeze %dma_wait3A_41 : memref<1x128x128xf32, #tpu.memory_space<hbm>> -> memref<128x128xf32, #tpu.memory_space<hbm>>
    %dma_wait3A_43 = arith.constant 0 : i32
    %dma_wait3A_44 = arith.constant 0 : i32
    %dma_wait3A_45 = tpu.memref_slice %arg4[%dma_wait3A_38, %dma_wait3A_43, %dma_wait3A_44] : memref<50x4096x128xf32, #tpu.memory_space<hbm>> -> memref<1x128x128xf32, #tpu.memory_space<hbm>>
    %dma_wait3A_46 = tpu.memref_squeeze %dma_wait3A_45 : memref<1x128x128xf32, #tpu.memory_space<hbm>> -> memref<128x128xf32, #tpu.memory_space<hbm>>
    tpu.wait_dma2 semaphore(%arg18 : memref<!tpu.dma_semaphore, #tpu.memory_space<semaphore_mem>>) src(%arg8 : memref<128x128xf32, #tpu.memory_space<vmem>>) dst(%dma_wait3A_46 : memref<128x128xf32, #tpu.memory_space<hbm>>)
    %dma_wait3A_47 = arith.constant 0 : i32
    %dma_wait3A_48 = arith.constant 0 : i32
    %dma_wait3A_49 = arith.constant 0 : i32
    %dma_wait3A_50 = tpu.memref_slice %arg4[%dma_wait3A_47, %dma_wait3A_48, %dma_wait3A_49] : memref<50x4096x128xf32, #tpu.memory_space<hbm>> -> memref<1x128x128xf32, #tpu.memory_space<hbm>>
    %dma_wait3A_51 = tpu.memref_squeeze %dma_wait3A_50 : memref<1x128x128xf32, #tpu.memory_space<hbm>> -> memref<128x128xf32, #tpu.memory_space<hbm>>
    %dma_wait3A_52 = arith.constant 0 : i32
    %dma_wait3A_53 = arith.constant 0 : i32
    %dma_wait3A_54 = tpu.memref_slice %arg4[%dma_wait3A_47, %dma_wait3A_52, %dma_wait3A_53] : memref<50x4096x128xf32, #tpu.memory_space<hbm>> -> memref<1x128x128xf32, #tpu.memory_space<hbm>>
    %dma_wait3A_55 = tpu.memref_squeeze %dma_wait3A_54 : memref<1x128x128xf32, #tpu.memory_space<hbm>> -> memref<128x128xf32, #tpu.memory_space<hbm>>
    tpu.wait_dma2 semaphore(%arg19 : memref<!tpu.dma_semaphore, #tpu.memory_space<semaphore_mem>>) src(%arg9 : memref<128x128xf32, #tpu.memory_space<vmem>>) dst(%dma_wait3A_55 : memref<128x128xf32, #tpu.memory_space<hbm>>)
    %dma_wait3A_56 = arith.constant 0 : i32
    %dma_wait3A_57 = arith.constant 0 : i32
    %dma_wait3A_58 = arith.constant 0 : i32
    %dma_wait3A_59 = tpu.memref_slice %arg4[%dma_wait3A_56, %dma_wait3A_57, %dma_wait3A_58] : memref<50x4096x128xf32, #tpu.memory_space<hbm>> -> memref<1x128x128xf32, #tpu.memory_space<hbm>>
    %dma_wait3A_60 = tpu.memref_squeeze %dma_wait3A_59 : memref<1x128x128xf32, #tpu.memory_space<hbm>> -> memref<128x128xf32, #tpu.memory_space<hbm>>
    %dma_wait3A_61 = arith.constant 0 : i32
    %dma_wait3A_62 = arith.constant 0 : i32
    %dma_wait3A_63 = tpu.memref_slice %arg4[%dma_wait3A_56, %dma_wait3A_61, %dma_wait3A_62] : memref<50x4096x128xf32, #tpu.memory_space<hbm>> -> memref<1x128x128xf32, #tpu.memory_space<hbm>>
    %dma_wait3A_64 = tpu.memref_squeeze %dma_wait3A_63 : memref<1x128x128xf32, #tpu.memory_space<hbm>> -> memref<128x128xf32, #tpu.memory_space<hbm>>
    tpu.wait_dma2 semaphore(%arg20 : memref<!tpu.dma_semaphore, #tpu.memory_space<semaphore_mem>>) src(%arg10 : memref<128x128xf32, #tpu.memory_space<vmem>>) dst(%dma_wait3A_64 : memref<128x128xf32, #tpu.memory_space<hbm>>)
    return
  }
}

</mosaic_0001>

<sc_bundles>
// kernel: kernel.3.cloned.1.call-start
scs
__scs_entry_jumppad:
0x0: {  	(pc) =	sbr.rel $0x88, $3  }
0x1: {  	(tag) =	ssettag $0x0;
	lr =	simm.s32 $0x1  }
0x2: {  	[smem:$0x3F9F] =	sst lr;
	_ =	strace $0xD0000000  }
0x3: {  	_ = 	snop  }
0x4: {  	_ = 	snop  }
0x5: {  	_ = 	snop  }
0x6: {  	_ = 	snop  }
0x7: {  	_ = 	snop  }
__scs_overlays_trampoline_lowered:
0x8: {  	[smem:$0x3FAE] =	sst s0  }
0x9: {  	[smem:$0x3FAF] =	sst s1  }
0xa: {  	[smem:$0x3FB0] =	sst s2  }
0xb: {  	[smem:$0x3FB1] =	sst s3  }
0xc: {  	[smem:$0x3FB2] =	sst s4  }
0xd: {  	[smem:$0x3FB3] =	sst s5  }
0xe: {  	[smem:$0x3FB4] =	sst s6  }
0xf: {  	[smem:$0x3FB5] =	sst s7  }
0x10: {  	[smem:$0x3FB6] =	sst s8  }
0x11: {  	[smem:$0x3FB7] =	sst s9;
	s0 =	simm.s32 @!p0 $0x0  }
0x12: {  	s1 =	sld [smem:$0x3F9D];
	s0 =	simm.s32 @p0 $0x1  }
0x13: {  	[smem:$0x3FB8] =	sst s0;
	s0 =	simm.s32 @!p1 $0x0  }
0x14: {  	s2 =	sld [smem:$0x3F9C];
	s0 =	simm.s32 @p1 $0x1  }
0x15: {  	[smem:$0x3FB9] =	sst s0;
	s0 =	simm.s32 @!p2 $0x0  }
0x16: {  	s3 =	sld [smem:$0x3FDB];
	s0 =	simm.s32 @p2 $0x1  }
0x17: {  	s4 =	simm.s32 $0x1BF5;
	[smem:$0x3FBB] =	sst s0  }
0x18: {  	s0 =	sld [smem:$0x3F9E];
	_ =	swait.ge [sflag:s4], $0x0  }
0x19: {  	s7 =	sld [smem:$0x3F9F]  }
0x1a: {  	s8 =	sadd.s32 $0xFFFFE003, lr  }
0x1b: {  	s9 =	sadd.s32 $0xFFFFFEF7, lr;
	s5 =	simm.s32 $0xFFFFFFFF;
	p2 =	slt.u32 s8, $0xFFFFF086  }
0x1c: {  	p1 =	slt.u32 s9, $0xF7A;
	s5 =	simm.s32 @!p2 $0x0  }
0x1d: {  	s5 =	simm.s32 @p1 $0x1;
	p0 =	seq.s32 s7, s2  }
0x1e: {  	s7 =	smul.u32 @!p0 $0xF7A, s2;
	p2 =	seq.s32 @!p0 s5, $0x0  }
0x1f: {  	s9 =	smul.u32 $0xF7A, s1;
	s8 =	simm.s32 @!p0 $0x1BF5;
	p2 =	por !p2, p0  }
0x20: {  	[sflag:s8] =	ssyncset.s32 @!p0 $0xFFFFF086;
	s6 =	sadd.s32 @!p0 s3, s7;
	s7 =	simm.s32 @!p0 $0x108  }
0x21: {  	s3 =	sadd.s32 s3, s9;
	s6 =	sadd.s32 @!p0 $0x88, s6;
	s7 =	simm.s32 @p2 $0x1082  }
0x22: {  	[simem:s7], [sflag:s8] =	dma.local @!p0 [hbm:s6], $0xF7A  }
0x23: {  	s9 =	sor.u32 $0xD0000000, s2;
	s6 =	simm.s32 $0x108;
	_ =	swait.ge @!p0 [sflag:s8], $0x0  }
0x24: {  	s3 =	sadd.s32 $0x88, s3;
	s6 =	simm.s32 @!p1 $0x1082;
	[sflag:s4] =	ssyncset.s32 $0xFFFFF086  }
0x25: {  	[simem:s6], [sflag:s4] =	dma.local [hbm:s3], $0xF7A  }
0x26: {  	[smem:$0x3F9F] =	sst s1;
	(tag) =	ssettag s2;
	_ =	strace s9  }
0x27: {  	s1 =	sld [smem:$0x3FAF]  }
0x28: {  	s2 =	sld [smem:$0x3FB0]  }
0x29: {  	s4 =	sld [smem:$0x3FB2]  }
0x2a: {  	p0 =	seq.s32 s5, $0x0;
	s5 =	sld [smem:$0x3FB3]  }
0x2b: {  	s6 =	sld [smem:$0x3FB4]  }
0x2c: {  	s7 =	sld [smem:$0x3FB5]  }
0x2d: {  	s3 =	simm.s32 $0x108;
	s8 =	sld [smem:$0x3FB6]  }
0x2e: {  	s3 =	simm.s32 @!p0 $0x1082;
	s9 =	sld [smem:$0x3FB7]  }
0x2f: {  	lr =	sadd.s32 s0, s3;
	s0 =	sld [smem:$0x3FAE]  }
0x30: {  	s3 =	sld [smem:$0x3FB1]  }
0x31: {  	[smem:$0x3FBA] =	sst s10  }
0x32: {  	s10 =	sld [smem:$0x3FB8];
	_ =	sdelay $0x3  }
0x33: {  	p0 =	seq.s32 s10, $0x1;
	s10 =	sld [smem:$0x3FBA];
	_ =	sdelay $0x3  }
0x34: {  	[smem:$0x3FBA] =	sst s10  }
0x35: {  	s10 =	sld [smem:$0x3FB9];
	_ =	sdelay $0x3  }
0x36: {  	p1 =	seq.s32 s10, $0x1;
	s10 =	sld [smem:$0x3FBA];
	_ =	sdelay $0x3  }
0x37: {  	[smem:$0x3FBA] =	sst s10  }
0x38: {  	s10 =	sld [smem:$0x3FBB]  }
0x39: {  	_ = 	snop;
	(pc) =	sbr.ind lr, $3  }
0x3a: {  	_ = 	snop  }
0x3b: {  	_ = 	snop  }
0x3c: {  	p2 =	seq.s32 s10, $0x1;
	s10 =	sld [smem:$0x3FBA]  }
0x3d: {  	_ =	shalt  }
0x3e: {  	_ =	shalt  }
0x3f: {  	_ =	shalt  }
0x40: {  	_ =	shalt  }
0x41: {  	_ =	shalt  }
0x42: {  	_ =	shalt  }
0x43: {  	_ =	shalt  }
0x44: {  	_ =	shalt  }
0x45: {  	_ =	shalt  }
0x46: {  	_ =	shalt  }
0x47: {  	_ =	shalt  }
0x48: {  	_ =	shalt  }
0x49: {  	_ =	shalt  }
0x4a: {  	_ =	shalt  }
0x4b: {  	_ =	shalt  }
0x4c: {  	_ =	shalt  }
0x4d: {  	_ =	shalt  }
0x4e: {  	_ =	shalt  }
0x4f: {  	_ =	shalt  }
0x50: {  	_ =	shalt  }
0x51: {  	_ =	shalt  }
0x52: {  	_ =	shalt  }
0x53: {  	_ =	shalt  }
0x54: {  	_ =	shalt  }
0x55: {  	_ =	shalt  }
0x56: {  	_ =	shalt  }
0x57: {  	_ =	shalt  }
0x58: {  	_ =	shalt  }
0x59: {  	_ =	shalt  }
0x5a: {  	_ =	shalt  }
0x5b: {  	_ =	shalt  }
0x5c: {  	_ =	shalt  }
0x5d: {  	_ =	shalt  }
0x5e: {  	_ =	shalt  }
0x5f: {  	_ =	shalt  }
0x60: {  	_ =	shalt  }
0x61: {  	_ =	shalt  }
0x62: {  	_ =	shalt  }
0x63: {  	_ =	shalt  }
0x64: {  	_ =	shalt  }
0x65: {  	_ =	shalt  }
0x66: {  	_ =	shalt  }
0x67: {  	_ =	shalt  }
0x68: {  	_ =	shalt  }
0x69: {  	_ =	shalt  }
0x6a: {  	_ =	shalt  }
0x6b: {  	_ =	shalt  }
0x6c: {  	_ =	shalt  }
0x6d: {  	_ =	shalt  }
0x6e: {  	_ =	shalt  }
0x6f: {  	_ =	shalt  }
0x70: {  	_ =	shalt  }
0x71: {  	_ =	shalt  }
0x72: {  	_ =	shalt  }
0x73: {  	_ =	shalt  }
0x74: {  	_ =	shalt  }
0x75: {  	_ =	shalt  }
0x76: {  	_ =	shalt  }
0x77: {  	_ =	shalt  }
0x78: {  	_ =	shalt  }
0x79: {  	_ =	shalt  }
0x7a: {  	_ =	shalt  }
0x7b: {  	_ =	shalt  }
0x7c: {  	_ =	shalt  }
0x7d: {  	_ =	shalt  }
0x7e: {  	_ =	shalt  }
0x7f: {  	_ =	shalt  }
0x80: {  	_ =	shalt  }
0x81: {  	_ =	shalt  }
0x82: {  	_ =	shalt  }
0x83: {  	_ =	shalt  }
0x84: {  	_ =	shalt  }
0x85: {  	_ =	shalt  }
0x86: {  	_ =	shalt  }
0x87: {  	_ =	shalt  }
.Lfunc_end0:
.L_simem_size_0:
called_computation_lowered:
.L_overlay_start_0:
0x88: {  	s2 =	sld [smem:$0x3FD9]  }
0x89: {  	s3 =	sld [smem:$0x3FFE];
	_ =	sdelay $0x1  }
0x8a: {  	s1 =	srdreg.scid  }
0x8b: {  	s0 =	sand.u32 $0x1, s1  }
0x8c: {  	s18 =	sshll.u32 s0, $0xA;
	s2 =	sadd.s32 s3, s2  }
0x8d: {  	s2 =	sadd.s32 s2, s18  }
0x8e: {  	[smem:$0x3FC6] =	sst s2  }
0x8f: {  	_ = 	snop  }
0x90: {  	s2 =	sld [smem:$0x3FC9]  }
0x91: {  	s19 =	sld [smem:$0x3FC8]  }
0x92: {  	s4 =	sld [smem:$0x3FD0];
	(tm) =	ssettm $0x1  }
0x93: {  	s5 =	sld [smem:$0x3FFB];
	_ =	sdelay $0x3  }
0x94: {  	_ =	strace s5  }
0x95: {  	s5 =	sld [smem:$0x3FFC];
	_ =	sdelay $0x3  }
0x96: {  	_ =	strace s5  }
0x97: {  	s5 =	sld [smem:$0x3FFD];
	_ =	sdelay $0x3  }
0x98: {  	_ =	strace s5  }
0x99: {  	_ =	strace $0x8FFFFFFF  }
0x9a: {  	s20 =	sld [smem:$0x3FDB];
	_ =	sdelay $0x1  }
0x9b: {  	s6 =	simm.s32 $_scs_section_size  }
0x9c: {  	s7 =	simm.s32 $_size__tile_overlayer_lowered;
	s8 =	simm.s32 $_tile_overlayer_lowered  }
0x9d: {  	s23 =	simm.s32 $0x1BFF;
	s22 =	sshll.u32 s8, $0x1;
	s5 =	sadd.s32 s6, s20  }
0x9e: {  	s9 =	simm.s32 $0x0;
	s21 =	sshll.u32 s7, $0x1;
	s7 =	sadd.s32 s22, s5  }
0x9f: {  	[timem:s9], [sflag:s23] =	dma.local [hbm:s7], s21  }
0xa0: {  	_ =	swait.ge [sflag:s23], s21  }
0xa1: {  	s6 =	ssub.s32 $0x0, s21;
	[sflag:s23] =	ssyncset.done $0x0  }
0xa2: {  	[sflag:s23] =	ssyncadd.s32 s6;
	_ =	sdelay $0x1  }
0xa3: {  	s24 =	simm.s32 $0x1B8B  }
0xa4: {  	_ =	swait.ge [sflag:s24], $0x1  }
0xa5: {  	[sflag:s24] =	ssyncset.done $0x0  }
0xa6: {  	s25 =	simm.s32 $0x1B8E;
	[sflag:s24] =	ssyncadd.s32 $0xFFFFFFFF  }
0xa7: {  	s26 =	simm.s32 $execute0_lowered;
	[smem:$0x3FD2] =	sst s25  }
0xa8: {  	s6 =	sshll.u32 s26, $0x1;
	_ =	strace $0x80000046;
	[dreg:$0x1] =	wrdreg $0xFFFFFFFF  }
0xa9: {  	s28 =	simm.s32 $_size_execute0_lowered;
	s5 =	sadd.s32 s5, s6;
	[dreg:$0x0] =	wrdreg $0x0  }
0xaa: {  	s6 =	sshll.u32 s28, $0x1;
	[dreg:$0x2] =	wrdreg s5  }
0xab: {  	[dreg:$0x3] =	wrdreg s6  }
0xac: {  	[dreg:$0x4] =	wrdreg $0xC0  }
0xad: {  	_ =	task [dreg:s9], $0x5FFFF  }
0xae: {  	[dreg:$0x1] =	wrdreg $0xFFFFFFFF  }
0xaf: {  	[dreg:$0x0] =	wrdreg $0x60  }
0xb0: {  	[dreg:$0x2] =	wrdreg s2  }
0xb1: {  	[dreg:$0x3] =	wrdreg s19  }
0xb2: {  	[dreg:$0x4] =	wrdreg s4  }
0xb3: {  	[dreg:$0x5] =	wrdreg $0x9  }
0xb4: {  	_ =	task.clear_ibuf [dreg:s9], $0x6FFFF;
	_ =	strace $0x90000046  }
0xb5: {  	s29 =	simm.s32 $0x9;
	_ =	strace $0x80000048  }
0xb6: {  	_ =	swait.ge [sflag:s29], $0x1  }
0xb7: {  	[sflag:s29] =	ssyncadd.s32 $0xFFFFFFFF  }
0xb8: {  	_ =	strace $0x90000048  }
0xb9: {  	_ =	sfence  }
0xba: {  	s30 =	sld [smem:$0x0];
	_ =	sdelay $0x2  }
0xbb: {  	s31 =	sshll.u32 s1, $0xD;
	s1 =	sshrl.u32 s1, $0x2  }
0xbc: {  	s3 =	sand.u32 $0x4000, s31;
	s1 =	sadd.s32 s1, s30  }
0xbd: {  	s0 =	sor.u32 s3, s0;
	s1 =	sshll.u32 s1, $0x11  }
0xbe: {  	s0 =	sor.u32 s1, s0  }
0xbf: {  	s0 =	sadd.s32 $0x8F2B, s0  }
0xc0: {  	[sflag:s0] =	ssyncadd.remote.s32 $0x1  }
0xc1: {  	_ =	sfence.sel $0xFFFF  }
0xc2: {  	[dreg:$0x0] =	wrdreg $0xFFFFFFFF;
	(pc) =	sbr.abs _section_cstart, $3  }
0xc3: {  	[dreg:$0x1] =	wrdreg $0xFFFFFFFF  }
0xc4: {  	_ =	task.clear_ibuf [dreg:s9], $0x2FFFF;
	_ =	strace $0x9FFFFFFF  }
0xc5: {  	(tm) =	ssettm $0x7FFFFFFF  }
tec
execute0_lowered:
.L_overlay_start_1:
0x0: {  	(tag) =	ssettag $0x1  }
0x1: {  	s0 =	rddreg [dreg:$0x0]  }
0x2: {  	s1 =	rddreg [dreg:$0x1]  }
0x3: {  	s2 =	rddreg [dreg:$0x2];
	s4 =	simm.s32 $0x0;
	s3 =	srdreg.scid  }
0x4: {  	s6 =	stileid.u32;
	s13 =	simm.s32 $0xB;
	s14 =	simm.s32 $0x80  }
0x5: {  	s15 =	simm.s32 $0x1C00;
	s16 =	simm.s32 $0x5C00;
	s17 =	simm.s32 $0x9C00  }
0x6: {  	s18 =	simm.s32 $0x1;
	s19 =	simm.s32 $0xDC00;
	s20 =	simm.s32 $0x2  }
0x7: {  	s21 =	simm.s32 $0x11C00;
	s22 =	simm.s32 $0x3;
	s23 =	simm.s32 $0x4  }
0x8: {  	s24 =	simm.s32 $0x5;
	s25 =	simm.s32 $0x6;
	s28 =	simm.s32 $0x8  }
0x9: {  	s29 =	simm.s32 $0x9;
	s30 =	simm.s32 $0xA;
	s3 =	sand.u32 $0x1, s3  }
0xa: {  	s6 =	sshll.u32 s6, $0x8;
	s5 =	ssub.s32 $0x2, s3;
	s3 =	sshll.u32 s3, $0x7  }
0xb: {  	s31 =	simm.s32 $0x0;
	[smem:$0x7FF] =	sst s4;
	s3 =	sor.u32 s3, s6  }
0xc: {  	_ =	strace $0x80000047;
	s7 =	sshrl.u32 s5, $0x1;
	s0 =	sadd.s32 s0, s3  }
0xd: {  	s7 =	ssub.s32 s5, s7;
	[dreg:$0x4] =	wrdreg s0;
	s0 =	sadd.s32 $0x6000, s0  }
0xe: {  	s6 =	sshll.u32 s3, $0x7;
	s26 =	smax.u32 s7, $0x1;
	[dreg:$0x5] =	wrdreg s0  }
0xf: {  	s8 =	sor.u32 $0x80000, s6;
	[dreg:$0x6] =	wrdreg s26;
	s26 =	simm.s32 $0x7  }
.LBB2_1:
0x10: {  	s0 =	rddreg [dreg:$0x4];
	s3 =	simm.s32 $0x400;
	s5 =	simm.s32 $0x8000  }
0x11: {  	[tilespmem:s4], [sflag:$0xB] =	stream.strided.gather [hbm4b:s0+s3], $0x1800, s5, s3, $0x38;
	[tilespmem:$0x15C00] =	vst v63  }
0x12: {  	s11 =	rddreg [dreg:$0x5];
	s12 =	simm.s32 $0x1800  }
0x13: {  	[tilespmem:s12], [sflag:$0xB] =	stream.linear.gather [hbm4b:s11+s4], $0x100, $0x38;
	[tilespmem:$0x15C00] =	vst v63  }
0x14: {  	_ =	swait.ge [sflag:s13], $0x1900  }
0x15: {  	[sflag:s13] =	ssyncset.done $0x0  }
0x16: {  	[sflag:s13] =	ssyncadd.s32 $0xFFFFE700  }
0x17: {  	[tilespmem:s15], [sflag:$0x1] =	stream.indirect.gather [hbm4b:s1+s14], $0x80, s4, s14, $0xb8;
	[tilespmem:$0x15C00] =	vst v63  }
0x18: {  	s0 =	simm.s32 $0x0  }
0x19: {  	[tilespmem:s16], [sflag:$0x2] =	stream.indirect.gather [hbm4b:s1+s14], $0x80, s14, s14, $0xb8;
	[tilespmem:$0x15C00] =	vst v63  }
.LBB2_2:
0x1a: {  	s3 =	smul.u32 $0x5, s0;
	p0 =	seq.s32 s0, $0x0  }
0x1b: {  	s7 =	simm.s32 @!p0 $0x8  }
0x1c: {  	s11 =	sadd.s32 $0x2, s3;
	_ =	swait.ge @!p0 [sflag:s7], $0x4000  }
0x1d: {  	[sflag:s7] =	ssyncset.done @!p0 $0x0;
	s9 =	sshll.u32 s11, $0x7  }
0x1e: {  	[sflag:s7] =	ssyncadd.s32 @!p0 $0xFFFFC000;
	s12 =	sand.u32 $0x3FFFFF80, s9  }
0x1f: {  	[tilespmem:s17], [sflag:$0x3] =	stream.indirect.gather [hbm4b:s1+s14], $0x80, s12, s14, $0xb8;
	[tilespmem:$0x15C00] =	vst v63  }
0x20: {  	_ =	swait.ge [sflag:s18], $0x4000  }
0x21: {  	[sflag:s18] =	ssyncset.done $0x0  }
0x22: {  	s10 =	simm.s32 $0x0;
	[sflag:s18] =	ssyncadd.s32 $0xFFFFC000  }
0x23: {  	v2 =	vld [tilespmem:s10+$0x1C00]  }
0x24: {  	v5 =	vld [tilespmem:s10+$0x1C10]  }
0x25: {  	v4 =	vld [tilespmem:s10+$0x1C20]  }
0x26: {  	v3 =	vld [tilespmem:s10+$0x1C30]  }
0x27: {  	v0 =	vld [tilespmem:s10+$0x1C40]  }
0x28: {  	v1 =	vld [tilespmem:s10+$0x1C50];
	v6 =	vmul.f32 $1.131370830e+01, v2  }
0x29: {  	s7 =	simm.s32 $0x200;
	v5 =	vmul.f32 $1.131370830e+01, v5;
	v2 =	vld [tilespmem:s10+$0x1C60]  }
.LBB2_3:
0x2a: {  	s9 =	sshra.s32 s7, $0x2;
	p1 =	sne.s32 s7, $0xFE00;
	[tilespmem:s10+$0x1C00] =	vst v6;
	v4 =	vmul.f32 $1.131370830e+01, v4;
	v6 =	vld [tilespmem:s10+$0x1C70]  }
0x2b: {  	v7 =	vld [tilespmem:s9+$0x1C00];
	[tilespmem:s10+$0x1C10] =	vst v5;
	v3 =	vmul.f32 $1.131370830e+01, v3  }
0x2c: {  	v5 =	vld [tilespmem:s9+$0x1C10];
	[tilespmem:s10+$0x1C20] =	vst v4;
	v0 =	vmul.f32 $1.131370830e+01, v0  }
.Ltmp0:
0x2d: {  	v4 =	vld [tilespmem:s9+$0x1C20];
	[tilespmem:s10+$0x1C30] =	vst v3;
	v1 =	vmul.f32 $1.131370830e+01, v1;
	(pc) =	sbr.rel @p1 .LBB2_3-.Ltmp0, $4  }
0x2e: {  	v3 =	vld [tilespmem:s9+$0x1C30];
	[tilespmem:s10+$0x1C40] =	vst v0;
	v2 =	vmul.f32 $1.131370830e+01, v2  }
0x2f: {  	v0 =	vld [tilespmem:s9+$0x1C40];
	[tilespmem:s10+$0x1C50] =	vst v1;
	v8 =	vmul.f32 $1.131370830e+01, v6  }
0x30: {  	v6 =	vmul.f32 $1.131370830e+01, v7;
	v1 =	vld [tilespmem:s9+$0x1C50];
	[tilespmem:s10+$0x1C60] =	vst v2  }
0x31: {  	s7 =	sadd.s32 $0x200, s7;
	v5 =	vmul.f32 $1.131370830e+01, v5;
	v2 =	vld [tilespmem:s9+$0x1C60];
	[tilespmem:s10+$0x1C70] =	vst v8;
	s10 =	smov.u32 s9  }
0x32: {  	[tilespmem:s10+$0x1C00] =	vst v6;
	v4 =	vmul.f32 $1.131370830e+01, v4;
	v6 =	vld [tilespmem:s10+$0x1C70]  }
0x33: {  	[tilespmem:s10+$0x1C10] =	vst v5;
	v3 =	vmul.f32 $1.131370830e+01, v3  }
0x34: {  	[tilespmem:s10+$0x1C20] =	vst v4;
	v0 =	vmul.f32 $1.131370830e+01, v0  }
0x35: {  	s12 =	smul.u32 $0x280000, s0;
	[tilespmem:s10+$0x1C30] =	vst v3;
	v1 =	vmul.f32 $1.131370830e+01, v1  }
0x36: {  	[tilespmem:s10+$0x1C40] =	vst v0;
	v0 =	vmul.f32 $1.131370830e+01, v2  }
0x37: {  	s7 =	sor.u32 s6, s12;
	[tilespmem:s10+$0x1C50] =	vst v1;
	v1 =	vmul.f32 $1.131370830e+01, v6  }
0x38: {  	s7 =	sshrl.u32 s7, $0x3;
	[tilespmem:s10+$0x1C60] =	vst v0  }
0x39: {  	s7 =	sadd.s32 s2, s7;
	[tilespmem:s10+$0x1C70] =	vst v1  }
0x3a: {  	[hbm4b:s7+s4] =	stream.linear.scatter [tilespmem:s15], [sflag:$0x6], $0x4000, $0x38;
	[tilespmem:$0x15C00] =	vst v63  }
0x3b: {  	s7 =	simm.s32 @!p0 $0x9  }
0x3c: {  	s10 =	sadd.s32 $0x3, s3;
	_ =	swait.ge @!p0 [sflag:s7], $0x4000  }
0x3d: {  	s9 =	sshll.u32 s10, $0x7;
	[sflag:s7] =	ssyncset.done @!p0 $0x0  }
0x3e: {  	s9 =	sand.u32 $0x3FFFFF80, s9;
	[sflag:s7] =	ssyncadd.s32 @!p0 $0xFFFFC000  }
0x3f: {  	[tilespmem:s19], [sflag:$0x4] =	stream.indirect.gather [hbm4b:s1+s14], $0x80, s9, s14, $0xb8;
	[tilespmem:$0x15C00] =	vst v63  }
0x40: {  	_ =	swait.ge [sflag:s20], $0x4000  }
0x41: {  	[sflag:s20] =	ssyncset.done $0x0  }
0x42: {  	s7 =	simm.s32 $0x0;
	[sflag:s20] =	ssyncadd.s32 $0xFFFFC000  }
0x43: {  	v3 =	vld [tilespmem:s7+$0x5C00]  }
0x44: {  	v5 =	vld [tilespmem:s7+$0x5C10]  }
0x45: {  	v4 =	vld [tilespmem:s7+$0x5C20]  }
0x46: {  	v2 =	vld [tilespmem:s7+$0x5C30]  }
0x47: {  	v0 =	vld [tilespmem:s7+$0x5C40]  }
0x48: {  	v1 =	vld [tilespmem:s7+$0x5C50];
	v6 =	vmul.f32 $1.131370830e+01, v3  }
0x49: {  	s9 =	simm.s32 $0x200;
	v5 =	vmul.f32 $1.131370830e+01, v5;
	v3 =	vld [tilespmem:s7+$0x5C60]  }
.LBB2_5:
0x4a: {  	s5 =	sshra.s32 s9, $0x2;
	p1 =	sne.s32 s9, $0xFE00;
	[tilespmem:s7+$0x5C00] =	vst v6;
	v4 =	vmul.f32 $1.131370830e+01, v4;
	v6 =	vld [tilespmem:s7+$0x5C70]  }
0x4b: {  	v7 =	vld [tilespmem:s5+$0x5C00];
	[tilespmem:s7+$0x5C10] =	vst v5;
	v2 =	vmul.f32 $1.131370830e+01, v2  }
0x4c: {  	v5 =	vld [tilespmem:s5+$0x5C10];
	[tilespmem:s7+$0x5C20] =	vst v4;
	v0 =	vmul.f32 $1.131370830e+01, v0  }
.Ltmp1:
0x4d: {  	v4 =	vld [tilespmem:s5+$0x5C20];
	[tilespmem:s7+$0x5C30] =	vst v2;
	v1 =	vmul.f32 $1.131370830e+01, v1;
	(pc) =	sbr.rel @p1 .LBB2_5-.Ltmp1, $4  }
0x4e: {  	v2 =	vld [tilespmem:s5+$0x5C30];
	[tilespmem:s7+$0x5C40] =	vst v0;
	v3 =	vmul.f32 $1.131370830e+01, v3  }
0x4f: {  	v0 =	vld [tilespmem:s5+$0x5C40];
	[tilespmem:s7+$0x5C50] =	vst v1;
	v8 =	vmul.f32 $1.131370830e+01, v6  }
0x50: {  	v6 =	vmul.f32 $1.131370830e+01, v7;
	v1 =	vld [tilespmem:s5+$0x5C50];
	[tilespmem:s7+$0x5C60] =	vst v3  }
0x51: {  	s9 =	sadd.s32 $0x200, s9;
	v5 =	vmul.f32 $1.131370830e+01, v5;
	v3 =	vld [tilespmem:s5+$0x5C60];
	[tilespmem:s7+$0x5C70] =	vst v8;
	s7 =	smov.u32 s5  }
0x52: {  	[tilespmem:s7+$0x5C00] =	vst v6;
	v4 =	vmul.f32 $1.131370830e+01, v4;
	v6 =	vld [tilespmem:s7+$0x5C70]  }
0x53: {  	[tilespmem:s7+$0x5C10] =	vst v5;
	v2 =	vmul.f32 $1.131370830e+01, v2  }
0x54: {  	[tilespmem:s7+$0x5C20] =	vst v4;
	v0 =	vmul.f32 $1.131370830e+01, v0  }
0x55: {  	[tilespmem:s7+$0x5C30] =	vst v2;
	v1 =	vmul.f32 $1.131370830e+01, v1  }
0x56: {  	[tilespmem:s7+$0x5C40] =	vst v0;
	v0 =	vmul.f32 $1.131370830e+01, v3  }
0x57: {  	s5 =	sadd.s32 s8, s12;
	[tilespmem:s7+$0x5C50] =	vst v1;
	v1 =	vmul.f32 $1.131370830e+01, v6  }
0x58: {  	s5 =	sshrl.u32 s5, $0x3;
	[tilespmem:s7+$0x5C60] =	vst v0  }
0x59: {  	s5 =	sadd.s32 s2, s5;
	[tilespmem:s7+$0x5C70] =	vst v1  }
0x5a: {  	[hbm4b:s5+s4] =	stream.linear.scatter [tilespmem:s16], [sflag:$0x7], $0x4000, $0x38;
	[tilespmem:$0x15C00] =	vst v63  }
0x5b: {  	s5 =	simm.s32 @!p0 $0xA  }
0x5c: {  	s3 =	sadd.s32 $0x4, s3;
	_ =	swait.ge @!p0 [sflag:s5], $0x4000  }
0x5d: {  	s9 =	sshll.u32 s3, $0x7;
	[sflag:s5] =	ssyncset.done @!p0 $0x0  }
0x5e: {  	s12 =	sand.u32 $0x3FFFFF80, s9;
	[sflag:s5] =	ssyncadd.s32 @!p0 $0xFFFFC000  }
0x5f: {  	[tilespmem:s21], [sflag:$0x5] =	stream.indirect.gather [hbm4b:s1+s14], $0x80, s12, s14, $0xb8;
	[tilespmem:$0x15C00] =	vst v63  }
0x60: {  	_ =	swait.ge [sflag:s22], $0x4000  }
0x61: {  	[sflag:s22] =	ssyncset.done $0x0  }
0x62: {  	s12 =	simm.s32 $0x0;
	[sflag:s22] =	ssyncadd.s32 $0xFFFFC000  }
0x63: {  	v3 =	vld [tilespmem:s12+$0x9C00]  }
0x64: {  	v5 =	vld [tilespmem:s12+$0x9C10]  }
0x65: {  	v4 =	vld [tilespmem:s12+$0x9C20]  }
0x66: {  	v2 =	vld [tilespmem:s12+$0x9C30]  }
0x67: {  	v0 =	vld [tilespmem:s12+$0x9C40]  }
0x68: {  	v1 =	vld [tilespmem:s12+$0x9C50];
	v6 =	vmul.f32 $1.131370830e+01, v3  }
0x69: {  	s7 =	simm.s32 $0x200;
	v5 =	vmul.f32 $1.131370830e+01, v5;
	v3 =	vld [tilespmem:s12+$0x9C60]  }
.LBB2_7:
0x6a: {  	s5 =	sshra.s32 s7, $0x2;
	p0 =	sne.s32 s7, $0xFE00;
	[tilespmem:s12+$0x9C00] =	vst v6;
	v4 =	vmul.f32 $1.131370830e+01, v4;
	v6 =	vld [tilespmem:s12+$0x9C70]  }
0x6b: {  	v7 =	vld [tilespmem:s5+$0x9C00];
	[tilespmem:s12+$0x9C10] =	vst v5;
	v2 =	vmul.f32 $1.131370830e+01, v2  }
0x6c: {  	v5 =	vld [tilespmem:s5+$0x9C10];
	[tilespmem:s12+$0x9C20] =	vst v4;
	v0 =	vmul.f32 $1.131370830e+01, v0  }
.Ltmp2:
0x6d: {  	v4 =	vld [tilespmem:s5+$0x9C20];
	[tilespmem:s12+$0x9C30] =	vst v2;
	v1 =	vmul.f32 $1.131370830e+01, v1;
	(pc) =	sbr.rel @p0 .LBB2_7-.Ltmp2, $4  }
0x6e: {  	v2 =	vld [tilespmem:s5+$0x9C30];
	[tilespmem:s12+$0x9C40] =	vst v0;
	v3 =	vmul.f32 $1.131370830e+01, v3  }
0x6f: {  	v0 =	vld [tilespmem:s5+$0x9C40];
	[tilespmem:s12+$0x9C50] =	vst v1;
	v8 =	vmul.f32 $1.131370830e+01, v6  }
0x70: {  	v6 =	vmul.f32 $1.131370830e+01, v7;
	v1 =	vld [tilespmem:s5+$0x9C50];
	[tilespmem:s12+$0x9C60] =	vst v3  }
0x71: {  	s7 =	sadd.s32 $0x200, s7;
	v5 =	vmul.f32 $1.131370830e+01, v5;
	v3 =	vld [tilespmem:s5+$0x9C60];
	[tilespmem:s12+$0x9C70] =	vst v8;
	s12 =	smov.u32 s5  }
0x72: {  	[tilespmem:s12+$0x9C00] =	vst v6;
	v4 =	vmul.f32 $1.131370830e+01, v4;
	v6 =	vld [tilespmem:s12+$0x9C70]  }
0x73: {  	[tilespmem:s12+$0x9C10] =	vst v5;
	v2 =	vmul.f32 $1.131370830e+01, v2  }
0x74: {  	[tilespmem:s12+$0x9C20] =	vst v4;
	v0 =	vmul.f32 $1.131370830e+01, v0  }
0x75: {  	[tilespmem:s12+$0x9C30] =	vst v2;
	v1 =	vmul.f32 $1.131370830e+01, v1  }
0x76: {  	s5 =	sshll.u32 s11, $0x13;
	[tilespmem:s12+$0x9C40] =	vst v0;
	v0 =	vmul.f32 $1.131370830e+01, v3  }
0x77: {  	s5 =	sor.u32 s6, s5;
	[tilespmem:s12+$0x9C50] =	vst v1;
	v1 =	vmul.f32 $1.131370830e+01, v6  }
0x78: {  	s5 =	sshrl.u32 s5, $0x3;
	[tilespmem:s12+$0x9C60] =	vst v0  }
0x79: {  	p0 =	seq.s32 s0, $0x9;
	s5 =	sadd.s32 s2, s5;
	[tilespmem:s12+$0x9C70] =	vst v1  }
0x7a: {  	[hbm4b:s5+s4] =	stream.linear.scatter [tilespmem:s17], [sflag:$0x8], $0x4000, $0x38;
	[tilespmem:$0x15C00] =	vst v63  }
0x7b: {  	s7 =	smul.u32 @!p0 $0xA00, s0;
	s5 =	simm.s32 @!p0 $0x6  }
0x7c: {  	_ =	swait.ge @!p0 [sflag:s5], $0x4000  }
0x7d: {  	s9 =	simm.s32 @!p0 $0x1C00;
	s11 =	sshra.s32 @!p0 s7, $0x2;
	[sflag:s5] =	ssyncset.done @!p0 $0x0  }
0x7e: {  	s7 =	simm.s32 @!p0 $0x80;
	[sflag:s5] =	ssyncadd.s32 @!p0 $0xFFFFC000;
	s5 =	sadd.s32 @!p0 $0x280, s11  }
0x7f: {  	[tilespmem:s9], [sflag:$0x1] =	stream.indirect.gather @!p0 [hbm4b:s1+s7], $0x80, s5, s7, $0xb8;
	[tilespmem:$0x15C00] =	vst v63  }
0x80: {  	_ =	swait.ge [sflag:s23], $0x4000  }
0x81: {  	[sflag:s23] =	ssyncset.done $0x0  }
0x82: {  	s12 =	simm.s32 $0x0;
	[sflag:s23] =	ssyncadd.s32 $0xFFFFC000  }
0x83: {  	v3 =	vld [tilespmem:s12+$0xDC00]  }
0x84: {  	v5 =	vld [tilespmem:s12+$0xDC10]  }
0x85: {  	v4 =	vld [tilespmem:s12+$0xDC20]  }
0x86: {  	v2 =	vld [tilespmem:s12+$0xDC30]  }
0x87: {  	v0 =	vld [tilespmem:s12+$0xDC40]  }
0x88: {  	v1 =	vld [tilespmem:s12+$0xDC50];
	v6 =	vmul.f32 $1.131370830e+01, v3  }
0x89: {  	s7 =	simm.s32 $0x200;
	v5 =	vmul.f32 $1.131370830e+01, v5;
	v3 =	vld [tilespmem:s12+$0xDC60]  }
.LBB2_9:
0x8a: {  	s5 =	sshra.s32 s7, $0x2;
	p1 =	sne.s32 s7, $0xFE00;
	[tilespmem:s12+$0xDC00] =	vst v6;
	v4 =	vmul.f32 $1.131370830e+01, v4;
	v6 =	vld [tilespmem:s12+$0xDC70]  }
0x8b: {  	v7 =	vld [tilespmem:s5+$0xDC00];
	[tilespmem:s12+$0xDC10] =	vst v5;
	v2 =	vmul.f32 $1.131370830e+01, v2  }
0x8c: {  	v5 =	vld [tilespmem:s5+$0xDC10];
	[tilespmem:s12+$0xDC20] =	vst v4;
	v0 =	vmul.f32 $1.131370830e+01, v0  }
.Ltmp3:
0x8d: {  	v4 =	vld [tilespmem:s5+$0xDC20];
	[tilespmem:s12+$0xDC30] =	vst v2;
	v1 =	vmul.f32 $1.131370830e+01, v1;
	(pc) =	sbr.rel @p1 .LBB2_9-.Ltmp3, $4  }
0x8e: {  	v2 =	vld [tilespmem:s5+$0xDC30];
	[tilespmem:s12+$0xDC40] =	vst v0;
	v3 =	vmul.f32 $1.131370830e+01, v3  }
0x8f: {  	v0 =	vld [tilespmem:s5+$0xDC40];
	[tilespmem:s12+$0xDC50] =	vst v1;
	v8 =	vmul.f32 $1.131370830e+01, v6  }
0x90: {  	v6 =	vmul.f32 $1.131370830e+01, v7;
	v1 =	vld [tilespmem:s5+$0xDC50];
	[tilespmem:s12+$0xDC60] =	vst v3  }
0x91: {  	s7 =	sadd.s32 $0x200, s7;
	v5 =	vmul.f32 $1.131370830e+01, v5;
	v3 =	vld [tilespmem:s5+$0xDC60];
	[tilespmem:s12+$0xDC70] =	vst v8;
	s12 =	smov.u32 s5  }
0x92: {  	[tilespmem:s12+$0xDC00] =	vst v6;
	v4 =	vmul.f32 $1.131370830e+01, v4;
	v6 =	vld [tilespmem:s12+$0xDC70]  }
0x93: {  	[tilespmem:s12+$0xDC10] =	vst v5;
	v2 =	vmul.f32 $1.131370830e+01, v2  }
0x94: {  	[tilespmem:s12+$0xDC20] =	vst v4;
	v0 =	vmul.f32 $1.131370830e+01, v0  }
0x95: {  	[tilespmem:s12+$0xDC30] =	vst v2;
	v1 =	vmul.f32 $1.131370830e+01, v1  }
0x96: {  	s5 =	sshll.u32 s10, $0x13;
	[tilespmem:s12+$0xDC40] =	vst v0;
	v0 =	vmul.f32 $1.131370830e+01, v3  }
0x97: {  	s5 =	sor.u32 s6, s5;
	[tilespmem:s12+$0xDC50] =	vst v1;
	v1 =	vmul.f32 $1.131370830e+01, v6  }
0x98: {  	s5 =	sshrl.u32 s5, $0x3;
	[tilespmem:s12+$0xDC60] =	vst v0  }
0x99: {  	s5 =	sadd.s32 s2, s5;
	[tilespmem:s12+$0xDC70] =	vst v1  }
0x9a: {  	[hbm4b:s5+s4] =	stream.linear.scatter [tilespmem:s19], [sflag:$0x9], $0x4000, $0x38;
	[tilespmem:$0x15C00] =	vst v63  }
0x9b: {  	s5 =	simm.s32 @!p0 $0x7  }
0x9c: {  	_ =	swait.ge @!p0 [sflag:s5], $0x4000  }
0x9d: {  	s7 =	simm.s32 @!p0 $0x80;
	[sflag:s5] =	ssyncset.done @!p0 $0x0  }
0x9e: {  	s9 =	simm.s32 @!p0 $0x5C00;
	[sflag:s5] =	ssyncadd.s32 @!p0 $0xFFFFC000;
	s5 =	sadd.s32 @!p0 $0x300, s11  }
0x9f: {  	[tilespmem:s9], [sflag:$0x2] =	stream.indirect.gather @!p0 [hbm4b:s1+s7], $0x80, s5, s7, $0xb8;
	[tilespmem:$0x15C00] =	vst v63  }
0xa0: {  	_ =	swait.ge [sflag:s24], $0x4000  }
0xa1: {  	[sflag:s24] =	ssyncset.done $0x0  }
0xa2: {  	s10 =	simm.s32 $0x0;
	[sflag:s24] =	ssyncadd.s32 $0xFFFFC000  }
0xa3: {  	v3 =	vld [tilespmem:s10+$0x11C00]  }
0xa4: {  	v5 =	vld [tilespmem:s10+$0x11C10]  }
0xa5: {  	v4 =	vld [tilespmem:s10+$0x11C20]  }
0xa6: {  	v2 =	vld [tilespmem:s10+$0x11C30]  }
0xa7: {  	v0 =	vld [tilespmem:s10+$0x11C40]  }
0xa8: {  	v1 =	vld [tilespmem:s10+$0x11C50];
	v6 =	vmul.f32 $1.131370830e+01, v3  }
0xa9: {  	s7 =	simm.s32 $0x200;
	v5 =	vmul.f32 $1.131370830e+01, v5;
	v3 =	vld [tilespmem:s10+$0x11C60]  }
.LBB2_11:
0xaa: {  	s5 =	sshra.s32 s7, $0x2;
	p0 =	sne.s32 s7, $0xFE00;
	[tilespmem:s10+$0x11C00] =	vst v6;
	v4 =	vmul.f32 $1.131370830e+01, v4;
	v6 =	vld [tilespmem:s10+$0x11C70]  }
0xab: {  	v7 =	vld [tilespmem:s5+$0x11C00];
	[tilespmem:s10+$0x11C10] =	vst v5;
	v2 =	vmul.f32 $1.131370830e+01, v2  }
0xac: {  	v5 =	vld [tilespmem:s5+$0x11C10];
	[tilespmem:s10+$0x11C20] =	vst v4;
	v0 =	vmul.f32 $1.131370830e+01, v0  }
.Ltmp4:
0xad: {  	v4 =	vld [tilespmem:s5+$0x11C20];
	[tilespmem:s10+$0x11C30] =	vst v2;
	v1 =	vmul.f32 $1.131370830e+01, v1;
	(pc) =	sbr.rel @p0 .LBB2_11-.Ltmp4, $4  }
0xae: {  	v2 =	vld [tilespmem:s5+$0x11C30];
	[tilespmem:s10+$0x11C40] =	vst v0;
	v3 =	vmul.f32 $1.131370830e+01, v3  }
0xaf: {  	v0 =	vld [tilespmem:s5+$0x11C40];
	[tilespmem:s10+$0x11C50] =	vst v1;
	v8 =	vmul.f32 $1.131370830e+01, v6  }
0xb0: {  	v6 =	vmul.f32 $1.131370830e+01, v7;
	v1 =	vld [tilespmem:s5+$0x11C50];
	[tilespmem:s10+$0x11C60] =	vst v3  }
0xb1: {  	s7 =	sadd.s32 $0x200, s7;
	v5 =	vmul.f32 $1.131370830e+01, v5;
	v3 =	vld [tilespmem:s5+$0x11C60];
	[tilespmem:s10+$0x11C70] =	vst v8;
	s10 =	smov.u32 s5  }
0xb2: {  	[tilespmem:s10+$0x11C00] =	vst v6;
	v4 =	vmul.f32 $1.131370830e+01, v4;
	v61 =	vld [tilespmem:s10+$0x11C70]  }
0xb3: {  	[tilespmem:s10+$0x11C10] =	vst v5;
	v2 =	vmul.f32 $1.131370830e+01, v2  }
0xb4: {  	s0 =	sadd.s32 $0x1, s0;
	[tilespmem:s10+$0x11C20] =	vst v4;
	v0 =	vmul.f32 $1.131370830e+01, v0  }
0xb5: {  	p0 =	sne.s32 s0, $0xA;
	[tilespmem:s10+$0x11C30] =	vst v2;
	v1 =	vmul.f32 $1.131370830e+01, v1  }
.Ltmp5:
0xb6: {  	s3 =	sshll.u32 s3, $0x13;
	[tilespmem:s10+$0x11C40] =	vst v0;
	v62 =	vmul.f32 $1.131370830e+01, v3;
	(pc) =	sbr.rel @p0 .LBB2_2-.Ltmp5, $4  }
0xb7: {  	s3 =	sor.u32 s6, s3;
	[tilespmem:s10+$0x11C50] =	vst v1;
	v63 =	vmul.f32 $1.131370830e+01, v61  }
0xb8: {  	s3 =	sshrl.u32 s3, $0x3;
	[tilespmem:s10+$0x11C60] =	vst v62  }
0xb9: {  	s3 =	sadd.s32 s2, s3;
	[tilespmem:s10+$0x11C70] =	vst v63  }
0xba: {  	[hbm4b:s3+s4] =	stream.linear.scatter [tilespmem:s21], [sflag:$0xA], $0x4000, $0x38;
	[tilespmem:$0x15C00] =	vst v63  }
0xbb: {  	_ =	swait.ge [sflag:s25], $0x4000  }
0xbc: {  	[sflag:s25] =	ssyncset.done $0x0  }
0xbd: {  	[sflag:s25] =	ssyncadd.s32 $0xFFFFC000  }
0xbe: {  	_ =	swait.ge [sflag:s26], $0x4000  }
0xbf: {  	[sflag:s26] =	ssyncset.done $0x0  }
0xc0: {  	[sflag:s26] =	ssyncadd.s32 $0xFFFFC000  }
0xc1: {  	_ =	swait.ge [sflag:s28], $0x4000  }
0xc2: {  	[sflag:s28] =	ssyncset.done $0x0  }
0xc3: {  	[sflag:s28] =	ssyncadd.s32 $0xFFFFC000  }
0xc4: {  	_ =	swait.ge [sflag:s29], $0x4000  }
0xc5: {  	[sflag:s29] =	ssyncset.done $0x0  }
0xc6: {  	[sflag:s29] =	ssyncadd.s32 $0xFFFFC000  }
0xc7: {  	_ =	swait.ge [sflag:s30], $0x4000  }
0xc8: {  	s31 =	sadd.s32 $0x1, s31;
	s0 =	rddreg [dreg:$0x6]  }
0xc9: {  	p0 =	sne.s32 s31, s0  }
.Ltmp6:
0xca: {  	_ = 	snop;
	(pc) =	sbr.rel @p0 .LBB2_1-.Ltmp6, $3  }
0xcb: {  	_ =	sdelay $0x1  }
0xcc: {  	[sflag:s30] =	ssyncset.done $0x0  }
0xcd: {  	[sflag:s30] =	ssyncadd.s32 $0xFFFFC000  }
0xce: {  	_ =	sfence.sel $0x180000  }
0xcf: {  	[bflag:$0x0] =	sbarrier.arrive $0xFFFF  }
0xd0: {  	_ =	strace $0x90000047  }
0xd1: {  	s0 =	stileid.u32;
	[bflag:$0x2] =	sbarrier.arrive $0xFFFF  }
0xd2: {  	p0 =	sne.s32 s0, $0x0;
	s0 =	rddreg [dreg:$0x3]  }
0xd3: {  	s0 =	sadd.s32 @!p0 $0x100000, s0  }
0xd4: {  	[sflag:s0] =	ssyncadd.tile.s32 @!p0 $0x1;
	_ =	shalt  }
.Lfunc_end2:
_tile_overlayer_lowered:
.L_overlay_start_2:
0xd5: {  	(tag) =	ssettag $0x2  }
0xd6: {  	s0 =	rddreg [dreg:$0x0];
	s2 =	stileid.u32  }
0xd7: {  	s1 =	rddreg [dreg:$0x1];
	p0 =	sne.s32 s2, $0x0  }
0xd8: {  	s3 =	rddreg [dreg:$0x2];
	[bflag:$0x3] =	sbarrier.arrive $0xFFFF;
	s2 =	simm.s32 @!p0 $0x1C0B  }
0xd9: {  	[timem:s3], [sflag:s2] =	dma.local @!p0 [hbm:s0], s1  }
0xda: {  	s0 =	simm.s32 @!p0 $0xB  }
0xdb: {  	_ =	swait.ge @!p0 [sflag:s0], s1  }
0xdc: {  	s1 =	ssub.s32 @!p0 $0x0, s1;
	[sflag:s0] =	ssyncset.done @!p0 $0x0  }
0xdd: {  	[sflag:s0] =	ssyncadd.s32 @!p0 s1  }
0xde: {  	[bflag:$0x3] =	sbarrier.arrive $0xFFFF  }
0xdf: {  	_ =	shalt  }

</sc_bundles>
